<compile_context>
chip_gen: v7x
topology: tpu7x:2x2x1
jax: 0.10.2.dev20260603
libtpu: 0.0.44.dev20260713+nightly
codegen_flags: <defaults>
</compile_context>

<pallas_src>
import functools

import jax
import jax.numpy as jnp
from jax import lax
from jax.experimental import pallas as pl
from jax.experimental.pallas import tpu as pltpu
from jax.experimental.pallas import tpu_sc as plsc

N = 131328
B = 32
NC = 2
NS = 16
NW = NC * NS
L = 16
CH = N // NW
CH_PAD = ((CH + L - 1) // L) * L
NVEC = CH_PAD // L
NBUF = 4


def _sc_body(pred_hbm, target_hbm, mask_hbm, out_hbm,
             mask_v, lidx_v, acc_v, rest):
    m_len = mask_v.shape[0]
    nvm = m_len // L
    pbufs = rest[0:NBUF]
    tbufs = rest[NBUF:2 * NBUF]
    psems = rest[2 * NBUF:3 * NBUF]
    tsems = rest[3 * NBUF:4 * NBUF]

    wid = lax.axis_index("s") * NC + lax.axis_index("c")
    c0 = wid * CH

    def start_row(r, u):
        base = r * N + c0
        pltpu.async_copy(pred_hbm.at[pl.ds(base, CH)],
                         pbufs[u].at[pl.ds(0, CH)], psems[u])
        pltpu.async_copy(target_hbm.at[pl.ds(base, CH)],
                         tbufs[u].at[pl.ds(0, CH)], tsems[u])

    def wait_row(r, u):
        base = r * N + c0
        pltpu.make_async_copy(pred_hbm.at[pl.ds(base, CH)],
                              pbufs[u].at[pl.ds(0, CH)], psems[u]).wait()
        pltpu.make_async_copy(target_hbm.at[pl.ds(base, CH)],
                              tbufs[u].at[pl.ds(0, CH)], tsems[u]).wait()

    zeros = jnp.zeros((L,), jnp.float32)
    for u in range(NBUF):
        pbufs[u][pl.ds(CH_PAD - L, L)] = zeros
        tbufs[u][pl.ds(CH_PAD - L, L)] = zeros

    for u in range(NBUF - 1):
        start_row(u, u)

    pltpu.sync_copy(mask_hbm, mask_v)

    n_steps = max(1, (nvm + 1).bit_length())

    def lower_bound_vec(x):
        def step(_, carry):
            pos, rem = carry
            half = rem // 2
            mid = pos + half
            probe = jnp.min(mask_v[pl.ds(jnp.minimum(mid, nvm - 1) * L, L)])
            active = rem > 0
            go_right = active & (probe < x)
            pos = jnp.where(go_right, mid + 1, pos)
            rem = jnp.where(active,
                            jnp.where(go_right, rem - half - 1, half),
                            0)
            return pos, rem

        pos, _ = lax.fori_loop(0, n_steps, step,
                               (jnp.int32(0), jnp.int32(nvm)))
        return pos

    jlo = jnp.maximum(lower_bound_vec(c0) - 1, 0)
    jhi = lower_bound_vec(c0 + CH)
    nv = jhi - jlo

    pad_idx = jnp.full((L,), CH_PAD - 1, jnp.int32)

    def build_body(k, carry):
        mv = mask_v[pl.ds((jlo + k) * L, L)]
        local = mv - c0
        valid = (local >= 0) & (local < CH)
        lidx_v[pl.ds(k * L, L)] = jnp.where(valid, local, CH_PAD - 1)
        return carry

    lax.fori_loop(0, nv, build_body, 0)
    for e in range(NBUF - 1):
        lidx_v[pl.ds((nv + e) * L, L)] = pad_idx

    nv4 = (nv + 3) // 4

    def make_row_compute(u):
        def vec4_body(k, a):
            for q in range(4):
                idx = lidx_v[pl.ds((k * 4 + q) * L, L)]
                p = plsc.load_gather(pbufs[u], [idx])
                t = plsc.load_gather(tbufs[u], [idx])
                a = a + jnp.abs(p - t)
            return a

        return vec4_body

    def ring_body(j, acc):
        for u in range(NBUF):
            r = j * NBUF + u
            start_row(jnp.minimum(r + NBUF - 1, B - 1), (u + NBUF - 1) % NBUF)
            wait_row(r, u)
            acc = lax.fori_loop(0, nv4, make_row_compute(u), acc)
        return acc

    acc = lax.fori_loop(0, B // NBUF, ring_body, jnp.zeros((L,), jnp.float32))

    for u in range(NBUF - 1):
        wait_row(B - 1, u)

    acc_v[...] = acc
    pltpu.sync_copy(acc_v, out_hbm.at[wid])


def _body_wrapper(pred_hbm, target_hbm, mask_hbm, out_hbm,
                  mask_v, lidx_v, acc_v, *rest):
    _sc_body(pred_hbm, target_hbm, mask_hbm, out_hbm,
             mask_v, lidx_v, acc_v, rest)


@functools.partial(jax.jit, static_argnames=("m_pad",))
def _run(pred_flat, target_flat, mask, m_pad):
    mesh = plsc.VectorSubcoreMesh(
        core_axis_name="c", subcore_axis_name="s", num_cores=NC,
        num_subcores=NS)
    k = pl.kernel(
        _body_wrapper,
        out_type=jax.ShapeDtypeStruct((NW, L), jnp.float32),
        mesh=mesh,
        compiler_params=pltpu.CompilerParams(needs_layout_passes=False),
        scratch_types=[
            pltpu.VMEM((m_pad,), jnp.int32),
            pltpu.VMEM((m_pad + NBUF * L,), jnp.int32),
            pltpu.VMEM((L,), jnp.float32),
        ] + [pltpu.VMEM((CH_PAD,), jnp.float32) for _ in range(2 * NBUF)]
          + [pltpu.SemaphoreType.DMA for _ in range(2 * NBUF)],
    )
    return k(pred_flat, target_flat, mask)


def kernel(pred, target, mask):
    m = mask.shape[0]
    m_pad = ((m + L - 1) // L) * L
    if m_pad != m:
        mask = jnp.pad(mask, (0, m_pad - m), constant_values=N)
    partial = _run(pred.reshape(-1), target.reshape(-1), mask, m_pad)
    return jnp.sum(partial)

# --- scband reference (transcript-rebuilt; emitter-appended) ---
"""Pipeline reference for scband-local-l1-loss-18726057411393 (READ-ONLY COPY).

The authoritative reference and input builder live on the scoring server;
editing this copy changes nothing except your own understanding.
"""

import jax, jax.numpy as jnp
import numpy as np

N_TRIU = 131328  # 512*513//2, upper triangle of a 512x512 matrix
B = 32


def setup_inputs(seed: int = 0) -> dict:
    key = jax.random.key(seed)
    k1, k2 = jax.random.split(key)
    pred = jax.random.normal(k1, (B, N_TRIU), dtype=jnp.float32)
    target = jax.random.normal(k2, (B, N_TRIU), dtype=jnp.float32)
    # buffer: integer index mask (equivalent of boundary_mask.pt), every 3rd triu index
    mask = jnp.arange(0, N_TRIU, 3, dtype=jnp.int32)
    return {"pred": pred, "target": target, "mask": mask}


def reference(pred, target, mask):
    # pred[..., mask] / target[..., mask] with an integer index tensor -> gather on last axis
    p = jnp.take(pred, mask, axis=-1)
    t = jnp.take(target, mask, axis=-1)
    # nn.L1Loss(reduction='sum')
    return jnp.sum(jnp.abs(p - t))

if __name__ == "__main__":
    import jax
    _d = setup_inputs()
    print(jax.jit(kernel)(*tuple(_d.values())))

</pallas_src>

<mosaic_0001>
#map = affine_map<(d0, d1) -> (0)>
#map1 = affine_map<(d0, d1) -> (0, 0)>
module attributes {stable_mosaic.version = 14 : i64} {
  func.func @_body_wrapper(%arg0: i32, %arg1: i32, %arg2: memref<4202496xf32, #tpu.memory_space<hbm>>, %arg3: memref<4202496xf32, #tpu.memory_space<hbm>>, %arg4: memref<43776xi32, #tpu.memory_space<hbm>>, %arg5: memref<32x16xf32, #tpu.memory_space<hbm>>, %arg6: memref<43776xi32, #tpu.memory_space<vmem>>, %arg7: memref<43840xi32, #tpu.memory_space<vmem>>, %arg8: memref<16xf32, #tpu.memory_space<vmem>>, %arg9: memref<4112xf32, #tpu.memory_space<vmem>>, %arg10: memref<4112xf32, #tpu.memory_space<vmem>>, %arg11: memref<4112xf32, #tpu.memory_space<vmem>>, %arg12: memref<4112xf32, #tpu.memory_space<vmem>>, %arg13: memref<4112xf32, #tpu.memory_space<vmem>>, %arg14: memref<4112xf32, #tpu.memory_space<vmem>>, %arg15: memref<4112xf32, #tpu.memory_space<vmem>>, %arg16: memref<4112xf32, #tpu.memory_space<vmem>>, %arg17: memref<!tpu.dma_semaphore, #tpu.memory_space<semaphore_mem>>, %arg18: memref<!tpu.dma_semaphore, #tpu.memory_space<semaphore_mem>>, %arg19: memref<!tpu.dma_semaphore, #tpu.memory_space<semaphore_mem>>, %arg20: memref<!tpu.dma_semaphore, #tpu.memory_space<semaphore_mem>>, %arg21: memref<!tpu.dma_semaphore, #tpu.memory_space<semaphore_mem>>, %arg22: memref<!tpu.dma_semaphore, #tpu.memory_space<semaphore_mem>>, %arg23: memref<!tpu.dma_semaphore, #tpu.memory_space<semaphore_mem>>, %arg24: memref<!tpu.dma_semaphore, #tpu.memory_space<semaphore_mem>>) attributes {dimension_semantics = [#tpu.dimension_semantics<core_parallel>, #tpu.dimension_semantics<subcore_parallel>], iteration_bounds = array<i64: 2, 16>, scalar_prefetch = 0 : i64, scratch_operands = 19 : i64, tpu.core_type = #tpu.core_type<sc_vector_subcore>, window_params = [{transform_indices = #map}, {transform_indices = #map}, {transform_indices = #map}, {transform_indices = #map1}]} {
    %mul3A = arith.constant 2 : i32
    %mul3A_0 = arith.muli %arg1, %mul3A : i32
    %add3A = arith.addi %mul3A_0, %arg0 : i32
    %mul3A_1 = arith.constant 4104 : i32
    %mul3A_2 = arith.muli %add3A, %mul3A_1 : i32
    %broadcast_in_dim3A = arith.constant 0.000000e+00 : f32
    %broadcast_in_dim3A_3 = vector.broadcast %broadcast_in_dim3A : f32 to vector<16xf32>
    %swap3A = arith.constant 4096 : index
    %swap3A_4 = tpu.vector_load %arg9[%swap3A] {strides = array<i32>} : memref<4112xf32, #tpu.memory_space<vmem>>, vector<16xf32>,
    tpu.vector_store %arg9[%swap3A], %broadcast_in_dim3A_3 {strides = array<i32>} : memref<4112xf32, #tpu.memory_space<vmem>>, vector<16xf32>,
    %swap3A_5 = arith.constant 4096 : index
    %swap3A_6 = tpu.vector_load %arg13[%swap3A_5] {strides = array<i32>} : memref<4112xf32, #tpu.memory_space<vmem>>, vector<16xf32>,
    tpu.vector_store %arg13[%swap3A_5], %broadcast_in_dim3A_3 {strides = array<i32>} : memref<4112xf32, #tpu.memory_space<vmem>>, vector<16xf32>,
    %swap3A_7 = arith.constant 4096 : index
    %swap3A_8 = tpu.vector_load %arg10[%swap3A_7] {strides = array<i32>} : memref<4112xf32, #tpu.memory_space<vmem>>, vector<16xf32>,
    tpu.vector_store %arg10[%swap3A_7], %broadcast_in_dim3A_3 {strides = array<i32>} : memref<4112xf32, #tpu.memory_space<vmem>>, vector<16xf32>,
    %swap3A_9 = arith.constant 4096 : index
    %swap3A_10 = tpu.vector_load %arg14[%swap3A_9] {strides = array<i32>} : memref<4112xf32, #tpu.memory_space<vmem>>, vector<16xf32>,
    tpu.vector_store %arg14[%swap3A_9], %broadcast_in_dim3A_3 {strides = array<i32>} : memref<4112xf32, #tpu.memory_space<vmem>>, vector<16xf32>,
    %swap3A_11 = arith.constant 4096 : index
    %swap3A_12 = tpu.vector_load %arg11[%swap3A_11] {strides = array<i32>} : memref<4112xf32, #tpu.memory_space<vmem>>, vector<16xf32>,
    tpu.vector_store %arg11[%swap3A_11], %broadcast_in_dim3A_3 {strides = array<i32>} : memref<4112xf32, #tpu.memory_space<vmem>>, vector<16xf32>,
    %swap3A_13 = arith.constant 4096 : index
    %swap3A_14 = tpu.vector_load %arg15[%swap3A_13] {strides = array<i32>} : memref<4112xf32, #tpu.memory_space<vmem>>, vector<16xf32>,
    tpu.vector_store %arg15[%swap3A_13], %broadcast_in_dim3A_3 {strides = array<i32>} : memref<4112xf32, #tpu.memory_space<vmem>>, vector<16xf32>,
    %swap3A_15 = arith.constant 4096 : index
    %swap3A_16 = tpu.vector_load %arg12[%swap3A_15] {strides = array<i32>} : memref<4112xf32, #tpu.memory_space<vmem>>, vector<16xf32>,
    tpu.vector_store %arg12[%swap3A_15], %broadcast_in_dim3A_3 {strides = array<i32>} : memref<4112xf32, #tpu.memory_space<vmem>>, vector<16xf32>,
    %swap3A_17 = arith.constant 4096 : index
    %swap3A_18 = tpu.vector_load %arg16[%swap3A_17] {strides = array<i32>} : memref<4112xf32, #tpu.memory_space<vmem>>, vector<16xf32>,
    tpu.vector_store %arg16[%swap3A_17], %broadcast_in_dim3A_3 {strides = array<i32>} : memref<4112xf32, #tpu.memory_space<vmem>>, vector<16xf32>,
    %add3A_19 = arith.constant 0 : i32
    %add3A_20 = arith.addi %add3A_19, %mul3A_2 : i32
    %dma_start3A = arith.constant 0 : i32
    %dma_start3A_21 = tpu.memref_slice %arg9[%dma_start3A] : memref<4112xf32, #tpu.memory_space<vmem>> -> memref<4104xf32, #tpu.memory_space<vmem>>
    %dma_start3A_22 = tpu.memref_slice %arg2[%add3A_20] : memref<4202496xf32, #tpu.memory_space<hbm>> -> memref<4104xf32, #tpu.memory_space<hbm>>
    %dma_start3A_23 = arith.constant 0 : i32
    %dma_start3A_24 = tpu.memref_slice %arg9[%dma_start3A_23] : memref<4112xf32, #tpu.memory_space<vmem>> -> memref<4104xf32, #tpu.memory_space<vmem>>
    %dma_start3A_25 = tpu.memref_slice %arg2[%add3A_20] : memref<4202496xf32, #tpu.memory_space<hbm>> -> memref<4104xf32, #tpu.memory_space<hbm>>
    tpu.enqueue_dma source(%dma_start3A_25 : memref<4104xf32, #tpu.memory_space<hbm>>) target(%dma_start3A_24 : memref<4104xf32, #tpu.memory_space<vmem>>) target_semaphore(%arg17 : memref<!tpu.dma_semaphore, #tpu.memory_space<semaphore_mem>>)
    %dma_start3A_26 = arith.constant 0 : i32
    %dma_start3A_27 = tpu.memref_slice %arg13[%dma_start3A_26] : memref<4112xf32, #tpu.memory_space<vmem>> -> memref<4104xf32, #tpu.memory_space<vmem>>
    %dma_start3A_28 = tpu.memref_slice %arg3[%add3A_20] : memref<4202496xf32, #tpu.memory_space<hbm>> -> memref<4104xf32, #tpu.memory_space<hbm>>
    %dma_start3A_29 = arith.constant 0 : i32
    %dma_start3A_30 = tpu.memref_slice %arg13[%dma_start3A_29] : memref<4112xf32, #tpu.memory_space<vmem>> -> memref<4104xf32, #tpu.memory_space<vmem>>
    %dma_start3A_31 = tpu.memref_slice %arg3[%add3A_20] : memref<4202496xf32, #tpu.memory_space<hbm>> -> memref<4104xf32, #tpu.memory_space<hbm>>
    tpu.enqueue_dma source(%dma_start3A_31 : memref<4104xf32, #tpu.memory_space<hbm>>) target(%dma_start3A_30 : memref<4104xf32, #tpu.memory_space<vmem>>) target_semaphore(%arg21 : memref<!tpu.dma_semaphore, #tpu.memory_space<semaphore_mem>>)
    %add3A_32 = arith.constant 131328 : i32
    %add3A_33 = arith.addi %add3A_32, %mul3A_2 : i32
    %dma_start3A_34 = arith.constant 0 : i32
    %dma_start3A_35 = tpu.memref_slice %arg10[%dma_start3A_34] : memref<4112xf32, #tpu.memory_space<vmem>> -> memref<4104xf32, #tpu.memory_space<vmem>>
    %dma_start3A_36 = tpu.memref_slice %arg2[%add3A_33] : memref<4202496xf32, #tpu.memory_space<hbm>> -> memref<4104xf32, #tpu.memory_space<hbm>>
    %dma_start3A_37 = arith.constant 0 : i32
    %dma_start3A_38 = tpu.memref_slice %arg10[%dma_start3A_37] : memref<4112xf32, #tpu.memory_space<vmem>> -> memref<4104xf32, #tpu.memory_space<vmem>>
    %dma_start3A_39 = tpu.memref_slice %arg2[%add3A_33] : memref<4202496xf32, #tpu.memory_space<hbm>> -> memref<4104xf32, #tpu.memory_space<hbm>>
    tpu.enqueue_dma source(%dma_start3A_39 : memref<4104xf32, #tpu.memory_space<hbm>>) target(%dma_start3A_38 : memref<4104xf32, #tpu.memory_space<vmem>>) target_semaphore(%arg18 : memref<!tpu.dma_semaphore, #tpu.memory_space<semaphore_mem>>)
    %dma_start3A_40 = arith.constant 0 : i32
    %dma_start3A_41 = tpu.memref_slice %arg14[%dma_start3A_40] : memref<4112xf32, #tpu.memory_space<vmem>> -> memref<4104xf32, #tpu.memory_space<vmem>>
    %dma_start3A_42 = tpu.memref_slice %arg3[%add3A_33] : memref<4202496xf32, #tpu.memory_space<hbm>> -> memref<4104xf32, #tpu.memory_space<hbm>>
    %dma_start3A_43 = arith.constant 0 : i32
    %dma_start3A_44 = tpu.memref_slice %arg14[%dma_start3A_43] : memref<4112xf32, #tpu.memory_space<vmem>> -> memref<4104xf32, #tpu.memory_space<vmem>>
    %dma_start3A_45 = tpu.memref_slice %arg3[%add3A_33] : memref<4202496xf32, #tpu.memory_space<hbm>> -> memref<4104xf32, #tpu.memory_space<hbm>>
    tpu.enqueue_dma source(%dma_start3A_45 : memref<4104xf32, #tpu.memory_space<hbm>>) target(%dma_start3A_44 : memref<4104xf32, #tpu.memory_space<vmem>>) target_semaphore(%arg22 : memref<!tpu.dma_semaphore, #tpu.memory_space<semaphore_mem>>)
    %add3A_46 = arith.constant 262656 : i32
    %add3A_47 = arith.addi %add3A_46, %mul3A_2 : i32
    %dma_start3A_48 = arith.constant 0 : i32
    %dma_start3A_49 = tpu.memref_slice %arg11[%dma_start3A_48] : memref<4112xf32, #tpu.memory_space<vmem>> -> memref<4104xf32, #tpu.memory_space<vmem>>
    %dma_start3A_50 = tpu.memref_slice %arg2[%add3A_47] : memref<4202496xf32, #tpu.memory_space<hbm>> -> memref<4104xf32, #tpu.memory_space<hbm>>
    %dma_start3A_51 = arith.constant 0 : i32
    %dma_start3A_52 = tpu.memref_slice %arg11[%dma_start3A_51] : memref<4112xf32, #tpu.memory_space<vmem>> -> memref<4104xf32, #tpu.memory_space<vmem>>
    %dma_start3A_53 = tpu.memref_slice %arg2[%add3A_47] : memref<4202496xf32, #tpu.memory_space<hbm>> -> memref<4104xf32, #tpu.memory_space<hbm>>
    tpu.enqueue_dma source(%dma_start3A_53 : memref<4104xf32, #tpu.memory_space<hbm>>) target(%dma_start3A_52 : memref<4104xf32, #tpu.memory_space<vmem>>) target_semaphore(%arg19 : memref<!tpu.dma_semaphore, #tpu.memory_space<semaphore_mem>>)
    %dma_start3A_54 = arith.constant 0 : i32
    %dma_start3A_55 = tpu.memref_slice %arg15[%dma_start3A_54] : memref<4112xf32, #tpu.memory_space<vmem>> -> memref<4104xf32, #tpu.memory_space<vmem>>
    %dma_start3A_56 = tpu.memref_slice %arg3[%add3A_47] : memref<4202496xf32, #tpu.memory_space<hbm>> -> memref<4104xf32, #tpu.memory_space<hbm>>
    %dma_start3A_57 = arith.constant 0 : i32
    %dma_start3A_58 = tpu.memref_slice %arg15[%dma_start3A_57] : memref<4112xf32, #tpu.memory_space<vmem>> -> memref<4104xf32, #tpu.memory_space<vmem>>
    %dma_start3A_59 = tpu.memref_slice %arg3[%add3A_47] : memref<4202496xf32, #tpu.memory_space<hbm>> -> memref<4104xf32, #tpu.memory_space<hbm>>
    tpu.enqueue_dma source(%dma_start3A_59 : memref<4104xf32, #tpu.memory_space<hbm>>) target(%dma_start3A_58 : memref<4104xf32, #tpu.memory_space<vmem>>) target_semaphore(%arg23 : memref<!tpu.dma_semaphore, #tpu.memory_space<semaphore_mem>>)
    "tpu.region"() ({
      %run_scoped3A = tpu.sem_alloc : memref<!tpu.dma_semaphore, #tpu.memory_space<semaphore_mem>>
      tpu.enqueue_dma source(%arg4 : memref<43776xi32, #tpu.memory_space<hbm>>) target(%arg6 : memref<43776xi32, #tpu.memory_space<vmem>>) target_semaphore(%run_scoped3A : memref<!tpu.dma_semaphore, #tpu.memory_space<semaphore_mem>>)
      tpu.wait_dma2 semaphore(%run_scoped3A : memref<!tpu.dma_semaphore, #tpu.memory_space<semaphore_mem>>) src(%arg4 : memref<43776xi32, #tpu.memory_space<hbm>>) dst(%arg6 : memref<43776xi32, #tpu.memory_space<vmem>>)
      tpu.yield
    }) : () -> ()
    %scan3A = arith.constant 0 : i32
    %scan3A_60 = arith.constant 2736 : i32
    %scan3A_61 = arith.constant 0 : i32
    %scan3A_62 = arith.constant 12 : i32
    %scan3A_63 = arith.addi %scan3A_61, %scan3A_62 : i32
    %scan3A_64 = arith.constant 1 : i32
    %scan3A_65:2 = scf.for %scan3A_179 = %scan3A_61 to %scan3A_63 step %scan3A_64 iter_args(%scan3A_180 = %scan3A, %scan3A_181 = %scan3A_60) -> (i32, i32)  : i32 {
      %jit3A_182 = arith.constant 2 : i32
      %div3A_183 = arith.divsi %scan3A_181, %jit3A_182 : i32
      %sign3A_184 = arith.constant 0 : i32
      %sign3A_185 = arith.cmpi sgt, %scan3A_181, %sign3A_184 : i32
      %sign3A_186 = arith.extui %sign3A_185 : i1 to i32
      %sign3A_187 = arith.constant 0 : i32
      %sign3A_188 = arith.cmpi slt, %scan3A_181, %sign3A_187 : i32
      %sign3A_189 = arith.extui %sign3A_188 : i1 to i32
      %sign3A_190 = arith.subi %sign3A_186, %sign3A_189 : i32
      %sign3A_191 = arith.constant 0 : i32
      %sign3A_192 = arith.cmpi sgt, %jit3A_182, %sign3A_191 : i32
      %sign3A_193 = arith.extui %sign3A_192 : i1 to i32
      %sign3A_194 = arith.constant 0 : i32
      %sign3A_195 = arith.cmpi slt, %jit3A_182, %sign3A_194 : i32
      %sign3A_196 = arith.extui %sign3A_195 : i1 to i32
      %sign3A_197 = arith.subi %sign3A_193, %sign3A_196 : i32
      %ne3A_198 = arith.cmpi ne, %sign3A_190, %sign3A_197 : i32
      %rem3A_199 = arith.remsi %scan3A_181, %jit3A_182 : i32
      %ne3A_200 = arith.constant 0 : i32
      %ne3A_201 = arith.cmpi ne, %rem3A_199, %ne3A_200 : i32
      %and3A_202 = arith.andi %ne3A_198, %ne3A_201 : i1
      %sub3A_203 = arith.constant 1 : i32
      %sub3A_204 = arith.subi %div3A_183, %sub3A_203 : i32
      %select_n3A_205 = arith.select %and3A_202, %sub3A_204, %div3A_183 : i32
      %add3A_206 = arith.addi %scan3A_180, %select_n3A_205 : i32
      %min3A = arith.constant 2735 : i32
      %min3A_207 = arith.minsi %add3A_206, %min3A : i32
      %mul3A_208 = arith.constant 16 : i32
      %mul3A_209 = arith.muli %min3A_207, %mul3A_208 : i32
      %get3A = arith.index_cast %mul3A_209 : i32 to index
      %get3A_210 = tpu.vector_load %arg6[%get3A] {strides = array<i32>} : memref<43776xi32, #tpu.memory_space<vmem>>, vector<16xi32>,
      %reduce_min3A = arith.constant true
      %reduce_min3A_211 = vector.broadcast %reduce_min3A : i1 to vector<16xi1>
      %reduce_min3A_212 = arith.constant -2147483648 : i32
      %reduce_min3A_213 = vector.broadcast %reduce_min3A_212 : i32 to vector<16xi32>
      %reduce_min3A_214 = arith.xori %get3A_210, %reduce_min3A_213 : vector<16xi32>
      %reduce_min3A_215 = tpu.scan <min>, %reduce_min3A_214 masked %reduce_min3A_211 : vector<16xi32>, vector<16xi1> -> vector<16xi32>
      %reduce_min3A_216 = arith.xori %reduce_min3A_215, %reduce_min3A_213 : vector<16xi32>
      %reduce_min3A_217 = vector.extract %reduce_min3A_216[15] : i32 from vector<16xi32>
      %gt3A = arith.constant 0 : i32
      %gt3A_218 = arith.cmpi sgt, %scan3A_181, %gt3A : i32
      %lt3A = arith.cmpi slt, %reduce_min3A_217, %mul3A_2 : i32
      %and3A_219 = arith.andi %gt3A_218, %lt3A : i1
      %add3A_220 = arith.constant 1 : i32
      %add3A_221 = arith.addi %add3A_206, %add3A_220 : i32
      %select_n3A_222 = arith.select %and3A_219, %add3A_221, %scan3A_180 : i32
      %sub3A_223 = arith.subi %scan3A_181, %select_n3A_205 : i32
      %sub3A_224 = arith.constant 1 : i32
      %sub3A_225 = arith.subi %sub3A_223, %sub3A_224 : i32
      %select_n3A_226 = arith.select %and3A_219, %sub3A_225, %select_n3A_205 : i32
      %jit3A_227 = arith.constant 0 : i32
      %select_n3A_228 = arith.select %gt3A_218, %select_n3A_226, %jit3A_227 : i32
      scf.yield %select_n3A_222, %select_n3A_228 : i32, i32
    }
    %scan3A_66 = arith.constant 12 : i32
    %sub3A = arith.constant 1 : i32
    %sub3A_67 = arith.subi %scan3A_65#0, %sub3A : i32
    %max3A = arith.constant 0 : i32
    %max3A_68 = arith.maxsi %sub3A_67, %max3A : i32
    %add3A_69 = arith.constant 4104 : i32
    %add3A_70 = arith.addi %mul3A_2, %add3A_69 : i32
    %scan3A_71 = arith.constant 0 : i32
    %scan3A_72 = arith.constant 2736 : i32
    %scan3A_73 = arith.constant 0 : i32
    %scan3A_74 = arith.constant 12 : i32
    %scan3A_75 = arith.addi %scan3A_73, %scan3A_74 : i32
    %scan3A_76 = arith.constant 1 : i32
    %scan3A_77:2 = scf.for %scan3A_179 = %scan3A_73 to %scan3A_75 step %scan3A_76 iter_args(%scan3A_180 = %scan3A_71, %scan3A_181 = %scan3A_72) -> (i32, i32)  : i32 {
      %jit3A_182 = arith.constant 2 : i32
      %div3A_183 = arith.divsi %scan3A_181, %jit3A_182 : i32
      %sign3A_184 = arith.constant 0 : i32
      %sign3A_185 = arith.cmpi sgt, %scan3A_181, %sign3A_184 : i32
      %sign3A_186 = arith.extui %sign3A_185 : i1 to i32
      %sign3A_187 = arith.constant 0 : i32
      %sign3A_188 = arith.cmpi slt, %scan3A_181, %sign3A_187 : i32
      %sign3A_189 = arith.extui %sign3A_188 : i1 to i32
      %sign3A_190 = arith.subi %sign3A_186, %sign3A_189 : i32
      %sign3A_191 = arith.constant 0 : i32
      %sign3A_192 = arith.cmpi sgt, %jit3A_182, %sign3A_191 : i32
      %sign3A_193 = arith.extui %sign3A_192 : i1 to i32
      %sign3A_194 = arith.constant 0 : i32
      %sign3A_195 = arith.cmpi slt, %jit3A_182, %sign3A_194 : i32
      %sign3A_196 = arith.extui %sign3A_195 : i1 to i32
      %sign3A_197 = arith.subi %sign3A_193, %sign3A_196 : i32
      %ne3A_198 = arith.cmpi ne, %sign3A_190, %sign3A_197 : i32
      %rem3A_199 = arith.remsi %scan3A_181, %jit3A_182 : i32
      %ne3A_200 = arith.constant 0 : i32
      %ne3A_201 = arith.cmpi ne, %rem3A_199, %ne3A_200 : i32
      %and3A_202 = arith.andi %ne3A_198, %ne3A_201 : i1
      %sub3A_203 = arith.constant 1 : i32
      %sub3A_204 = arith.subi %div3A_183, %sub3A_203 : i32
      %select_n3A_205 = arith.select %and3A_202, %sub3A_204, %div3A_183 : i32
      %add3A_206 = arith.addi %scan3A_180, %select_n3A_205 : i32
      %min3A = arith.constant 2735 : i32
      %min3A_207 = arith.minsi %add3A_206, %min3A : i32
      %mul3A_208 = arith.constant 16 : i32
      %mul3A_209 = arith.muli %min3A_207, %mul3A_208 : i32
      %get3A = arith.index_cast %mul3A_209 : i32 to index
      %get3A_210 = tpu.vector_load %arg6[%get3A] {strides = array<i32>} : memref<43776xi32, #tpu.memory_space<vmem>>, vector<16xi32>,
      %reduce_min3A = arith.constant true
      %reduce_min3A_211 = vector.broadcast %reduce_min3A : i1 to vector<16xi1>
      %reduce_min3A_212 = arith.constant -2147483648 : i32
      %reduce_min3A_213 = vector.broadcast %reduce_min3A_212 : i32 to vector<16xi32>
      %reduce_min3A_214 = arith.xori %get3A_210, %reduce_min3A_213 : vector<16xi32>
      %reduce_min3A_215 = tpu.scan <min>, %reduce_min3A_214 masked %reduce_min3A_211 : vector<16xi32>, vector<16xi1> -> vector<16xi32>
      %reduce_min3A_216 = arith.xori %reduce_min3A_215, %reduce_min3A_213 : vector<16xi32>
      %reduce_min3A_217 = vector.extract %reduce_min3A_216[15] : i32 from vector<16xi32>
      %gt3A = arith.constant 0 : i32
      %gt3A_218 = arith.cmpi sgt, %scan3A_181, %gt3A : i32
      %lt3A = arith.cmpi slt, %reduce_min3A_217, %add3A_70 : i32
      %and3A_219 = arith.andi %gt3A_218, %lt3A : i1
      %add3A_220 = arith.constant 1 : i32
      %add3A_221 = arith.addi %add3A_206, %add3A_220 : i32
      %select_n3A_222 = arith.select %and3A_219, %add3A_221, %scan3A_180 : i32
      %sub3A_223 = arith.subi %scan3A_181, %select_n3A_205 : i32
      %sub3A_224 = arith.constant 1 : i32
      %sub3A_225 = arith.subi %sub3A_223, %sub3A_224 : i32
      %select_n3A_226 = arith.select %and3A_219, %sub3A_225, %select_n3A_205 : i32
      %jit3A_227 = arith.constant 0 : i32
      %select_n3A_228 = arith.select %gt3A_218, %select_n3A_226, %jit3A_227 : i32
      scf.yield %select_n3A_222, %select_n3A_228 : i32, i32
    }
    %scan3A_78 = arith.constant 12 : i32
    %sub3A_79 = arith.subi %scan3A_77#0, %max3A_68 : i32
    %broadcast_in_dim3A_80 = arith.constant 4111 : i32
    %broadcast_in_dim3A_81 = vector.broadcast %broadcast_in_dim3A_80 : i32 to vector<16xi32>
    %while3A = arith.constant 0 : i32
    %while3A_82 = arith.constant 0 : i32
    %while3A_83 = arith.subi %sub3A_79, %while3A_82 : i32
    %while3A_84 = arith.addi %while3A_82, %while3A_83 : i32
    %while3A_85 = arith.constant 1 : i32
    %while3A_86 = arith.divsi %while3A_83, %while3A_85 : i32
    %while3A_87 = arith.muli %while3A_86, %while3A_85 : i32
    %while3A_88 = arith.addi %while3A_82, %while3A_87 : i32
    %while3A_89 = arith.constant 1 : i32
    scf.for %while3A_179 = %while3A_82 to %while3A_88 step %while3A_89  : i32 {
      %add3A_180 = arith.addi %max3A_68, %while3A_179 : i32
      %mul3A_181 = arith.constant 16 : i32
      %mul3A_182 = arith.muli %add3A_180, %mul3A_181 : i32
      %get3A = arith.index_cast %mul3A_182 : i32 to index
      %get3A_183 = tpu.vector_load %arg6[%get3A] {strides = array<i32>} : memref<43776xi32, #tpu.memory_space<vmem>>, vector<16xi32>,
      %sub3A_184 = vector.broadcast %mul3A_2 : i32 to vector<16xi32>
      %sub3A_185 = arith.subi %get3A_183, %sub3A_184 : vector<16xi32>
      %ge3A = arith.constant 0 : i32
      %ge3A_186 = vector.broadcast %ge3A : i32 to vector<16xi32>
      %ge3A_187 = arith.cmpi sge, %sub3A_185, %ge3A_186 : vector<16xi32>
      %lt3A = arith.constant 4104 : i32
      %lt3A_188 = vector.broadcast %lt3A : i32 to vector<16xi32>
      %lt3A_189 = arith.cmpi slt, %sub3A_185, %lt3A_188 : vector<16xi32>
      %and3A_190 = arith.andi %ge3A_187, %lt3A_189 : vector<16xi1>
      %jit3A_191 = arith.constant 4111 : i32
      %broadcast_in_dim3A_192 = vector.broadcast %jit3A_191 : i32 to vector<16xi32>
      %select_n3A_193 = arith.select %and3A_190, %sub3A_185, %broadcast_in_dim3A_192 : vector<16xi1>, vector<16xi32>
      %mul3A_194 = arith.constant 16 : i32
      %mul3A_195 = arith.muli %while3A_179, %mul3A_194 : i32
      %swap3A_196 = arith.index_cast %mul3A_195 : i32 to index
      %swap3A_197 = tpu.vector_load %arg7[%swap3A_196] {strides = array<i32>} : memref<43840xi32, #tpu.memory_space<vmem>>, vector<16xi32>,
      tpu.vector_store %arg7[%swap3A_196], %select_n3A_193 {strides = array<i32>} : memref<43840xi32, #tpu.memory_space<vmem>>, vector<16xi32>,
    }
    %while3A_90 = arith.constant 1 : i32
    scf.for %while3A_179 = %while3A_88 to %while3A_84 step %while3A_90  : i32 {
      %add3A_180 = arith.addi %max3A_68, %while3A_179 : i32
      %mul3A_181 = arith.constant 16 : i32
      %mul3A_182 = arith.muli %add3A_180, %mul3A_181 : i32
      %get3A = arith.index_cast %mul3A_182 : i32 to index
      %get3A_183 = tpu.vector_load %arg6[%get3A] {strides = array<i32>} : memref<43776xi32, #tpu.memory_space<vmem>>, vector<16xi32>,
      %sub3A_184 = vector.broadcast %mul3A_2 : i32 to vector<16xi32>
      %sub3A_185 = arith.subi %get3A_183, %sub3A_184 : vector<16xi32>
      %ge3A = arith.constant 0 : i32
      %ge3A_186 = vector.broadcast %ge3A : i32 to vector<16xi32>
      %ge3A_187 = arith.cmpi sge, %sub3A_185, %ge3A_186 : vector<16xi32>
      %lt3A = arith.constant 4104 : i32
      %lt3A_188 = vector.broadcast %lt3A : i32 to vector<16xi32>
      %lt3A_189 = arith.cmpi slt, %sub3A_185, %lt3A_188 : vector<16xi32>
      %and3A_190 = arith.andi %ge3A_187, %lt3A_189 : vector<16xi1>
      %jit3A_191 = arith.constant 4111 : i32
      %broadcast_in_dim3A_192 = vector.broadcast %jit3A_191 : i32 to vector<16xi32>
      %select_n3A_193 = arith.select %and3A_190, %sub3A_185, %broadcast_in_dim3A_192 : vector<16xi1>, vector<16xi32>
      %mul3A_194 = arith.constant 16 : i32
      %mul3A_195 = arith.muli %while3A_179, %mul3A_194 : i32
      %swap3A_196 = arith.index_cast %mul3A_195 : i32 to index
      %swap3A_197 = tpu.vector_load %arg7[%swap3A_196] {strides = array<i32>} : memref<43840xi32, #tpu.memory_space<vmem>>, vector<16xi32>,
      tpu.vector_store %arg7[%swap3A_196], %select_n3A_193 {strides = array<i32>} : memref<43840xi32, #tpu.memory_space<vmem>>, vector<16xi32>,
    }
    %add3A_91 = arith.constant 0 : i32
    %add3A_92 = arith.addi %sub3A_79, %add3A_91 : i32
    %mul3A_93 = arith.constant 16 : i32
    %mul3A_94 = arith.muli %add3A_92, %mul3A_93 : i32
    %swap3A_95 = arith.index_cast %mul3A_94 : i32 to index
    %swap3A_96 = tpu.vector_load %arg7[%swap3A_95] {strides = array<i32>} : memref<43840xi32, #tpu.memory_space<vmem>>, vector<16xi32>,
    tpu.vector_store %arg7[%swap3A_95], %broadcast_in_dim3A_81 {strides = array<i32>} : memref<43840xi32, #tpu.memory_space<vmem>>, vector<16xi32>,
    %add3A_97 = arith.constant 1 : i32
    %add3A_98 = arith.addi %sub3A_79, %add3A_97 : i32
    %mul3A_99 = arith.constant 16 : i32
    %mul3A_100 = arith.muli %add3A_98, %mul3A_99 : i32
    %swap3A_101 = arith.index_cast %mul3A_100 : i32 to index
    %swap3A_102 = tpu.vector_load %arg7[%swap3A_101] {strides = array<i32>} : memref<43840xi32, #tpu.memory_space<vmem>>, vector<16xi32>,
    tpu.vector_store %arg7[%swap3A_101], %broadcast_in_dim3A_81 {strides = array<i32>} : memref<43840xi32, #tpu.memory_space<vmem>>, vector<16xi32>,
    %add3A_103 = arith.constant 2 : i32
    %add3A_104 = arith.addi %sub3A_79, %add3A_103 : i32
    %mul3A_105 = arith.constant 16 : i32
    %mul3A_106 = arith.muli %add3A_104, %mul3A_105 : i32
    %swap3A_107 = arith.index_cast %mul3A_106 : i32 to index
    %swap3A_108 = tpu.vector_load %arg7[%swap3A_107] {strides = array<i32>} : memref<43840xi32, #tpu.memory_space<vmem>>, vector<16xi32>,
    tpu.vector_store %arg7[%swap3A_107], %broadcast_in_dim3A_81 {strides = array<i32>} : memref<43840xi32, #tpu.memory_space<vmem>>, vector<16xi32>,
    %add3A_109 = arith.constant 3 : i32
    %add3A_110 = arith.addi %sub3A_79, %add3A_109 : i32
    %jit3A = arith.constant 4 : i32
    %div3A = arith.divsi %add3A_110, %jit3A : i32
    %sign3A = arith.constant 0 : i32
    %sign3A_111 = arith.cmpi sgt, %add3A_110, %sign3A : i32
    %sign3A_112 = arith.extui %sign3A_111 : i1 to i32
    %sign3A_113 = arith.constant 0 : i32
    %sign3A_114 = arith.cmpi slt, %add3A_110, %sign3A_113 : i32
    %sign3A_115 = arith.extui %sign3A_114 : i1 to i32
    %sign3A_116 = arith.subi %sign3A_112, %sign3A_115 : i32
    %sign3A_117 = arith.constant 0 : i32
    %sign3A_118 = arith.cmpi sgt, %jit3A, %sign3A_117 : i32
    %sign3A_119 = arith.extui %sign3A_118 : i1 to i32
    %sign3A_120 = arith.constant 0 : i32
    %sign3A_121 = arith.cmpi slt, %jit3A, %sign3A_120 : i32
    %sign3A_122 = arith.extui %sign3A_121 : i1 to i32
    %sign3A_123 = arith.subi %sign3A_119, %sign3A_122 : i32
    %ne3A = arith.cmpi ne, %sign3A_116, %sign3A_123 : i32
    %rem3A = arith.remsi %add3A_110, %jit3A : i32
    %ne3A_124 = arith.constant 0 : i32
    %ne3A_125 = arith.cmpi ne, %rem3A, %ne3A_124 : i32
    %and3A = arith.andi %ne3A, %ne3A_125 : i1
    %sub3A_126 = arith.constant 1 : i32
    %sub3A_127 = arith.subi %div3A, %sub3A_126 : i32
    %select_n3A = arith.select %and3A, %sub3A_127, %div3A : i32
    %broadcast_in_dim3A_128 = arith.constant 0.000000e+00 : f32
    %broadcast_in_dim3A_129 = vector.broadcast %broadcast_in_dim3A_128 : f32 to vector<16xf32>
    %scan3A_130 = arith.constant 0 : i32
    %scan3A_131 = arith.constant 8 : i32
    %scan3A_132 = arith.addi %scan3A_130, %scan3A_131 : i32
    %scan3A_133 = arith.constant 1 : i32
    %scan3A_134 = scf.for %scan3A_179 = %scan3A_130 to %scan3A_132 step %scan3A_133 iter_args(%scan3A_180 = %broadcast_in_dim3A_129) -> (vector<16xf32>)  : i32 {
      %mul3A_181 = arith.constant 4 : i32
      %mul3A_182 = arith.muli %scan3A_179, %mul3A_181 : i32
      %add3A_183 = arith.constant 0 : i32
      %add3A_184 = arith.addi %mul3A_182, %add3A_183 : i32
      %add3A_185 = arith.constant 4 : i32
      %add3A_186 = arith.addi %add3A_184, %add3A_185 : i32
      %sub3A_187 = arith.constant 1 : i32
      %sub3A_188 = arith.subi %add3A_186, %sub3A_187 : i32
      %min3A = arith.constant 31 : i32
      %min3A_189 = arith.minsi %sub3A_188, %min3A : i32
      %mul3A_190 = arith.constant 131328 : i32
      %mul3A_191 = arith.muli %min3A_189, %mul3A_190 : i32
      %add3A_192 = arith.addi %mul3A_191, %mul3A_2 : i32
      %dma_start3A_193 = arith.constant 0 : i32
      %dma_start3A_194 = tpu.memref_slice %arg12[%dma_start3A_193] : memref<4112xf32, #tpu.memory_space<vmem>> -> memref<4104xf32, #tpu.memory_space<vmem>>
      %dma_start3A_195 = tpu.memref_slice %arg2[%add3A_192] : memref<4202496xf32, #tpu.memory_space<hbm>> -> memref<4104xf32, #tpu.memory_space<hbm>>
      %dma_start3A_196 = arith.constant 0 : i32
      %dma_start3A_197 = tpu.memref_slice %arg12[%dma_start3A_196] : memref<4112xf32, #tpu.memory_space<vmem>> -> memref<4104xf32, #tpu.memory_space<vmem>>
      %dma_start3A_198 = tpu.memref_slice %arg2[%add3A_192] : memref<4202496xf32, #tpu.memory_space<hbm>> -> memref<4104xf32, #tpu.memory_space<hbm>>
      tpu.enqueue_dma source(%dma_start3A_198 : memref<4104xf32, #tpu.memory_space<hbm>>) target(%dma_start3A_197 : memref<4104xf32, #tpu.memory_space<vmem>>) target_semaphore(%arg20 : memref<!tpu.dma_semaphore, #tpu.memory_space<semaphore_mem>>)
      %dma_start3A_199 = arith.constant 0 : i32
      %dma_start3A_200 = tpu.memref_slice %arg16[%dma_start3A_199] : memref<4112xf32, #tpu.memory_space<vmem>> -> memref<4104xf32, #tpu.memory_space<vmem>>
      %dma_start3A_201 = tpu.memref_slice %arg3[%add3A_192] : memref<4202496xf32, #tpu.memory_space<hbm>> -> memref<4104xf32, #tpu.memory_space<hbm>>
      %dma_start3A_202 = arith.constant 0 : i32
      %dma_start3A_203 = tpu.memref_slice %arg16[%dma_start3A_202] : memref<4112xf32, #tpu.memory_space<vmem>> -> memref<4104xf32, #tpu.memory_space<vmem>>
      %dma_start3A_204 = tpu.memref_slice %arg3[%add3A_192] : memref<4202496xf32, #tpu.memory_space<hbm>> -> memref<4104xf32, #tpu.memory_space<hbm>>
      tpu.enqueue_dma source(%dma_start3A_204 : memref<4104xf32, #tpu.memory_space<hbm>>) target(%dma_start3A_203 : memref<4104xf32, #tpu.memory_space<vmem>>) target_semaphore(%arg24 : memref<!tpu.dma_semaphore, #tpu.memory_space<semaphore_mem>>)
      %mul3A_205 = arith.constant 131328 : i32
      %mul3A_206 = arith.muli %add3A_184, %mul3A_205 : i32
      %add3A_207 = arith.addi %mul3A_206, %mul3A_2 : i32
      %dma_wait3A_208 = arith.constant 0 : i32
      %dma_wait3A_209 = tpu.memref_slice %arg9[%dma_wait3A_208] : memref<4112xf32, #tpu.memory_space<vmem>> -> memref<4104xf32, #tpu.memory_space<vmem>>
      %dma_wait3A_210 = tpu.memref_slice %arg2[%add3A_207] : memref<4202496xf32, #tpu.memory_space<hbm>> -> memref<4104xf32, #tpu.memory_space<hbm>>
      %dma_wait3A_211 = arith.constant 0 : i32
      %dma_wait3A_212 = tpu.memref_slice %arg9[%dma_wait3A_211] : memref<4112xf32, #tpu.memory_space<vmem>> -> memref<4104xf32, #tpu.memory_space<vmem>>
      %dma_wait3A_213 = tpu.memref_slice %arg2[%add3A_207] : memref<4202496xf32, #tpu.memory_space<hbm>> -> memref<4104xf32, #tpu.memory_space<hbm>>
      tpu.wait_dma2 semaphore(%arg17 : memref<!tpu.dma_semaphore, #tpu.memory_space<semaphore_mem>>) src(%dma_wait3A_213 : memref<4104xf32, #tpu.memory_space<hbm>>) dst(%dma_wait3A_212 : memref<4104xf32, #tpu.memory_space<vmem>>)
      %dma_wait3A_214 = arith.constant 0 : i32
      %dma_wait3A_215 = tpu.memref_slice %arg13[%dma_wait3A_214] : memref<4112xf32, #tpu.memory_space<vmem>> -> memref<4104xf32, #tpu.memory_space<vmem>>
      %dma_wait3A_216 = tpu.memref_slice %arg3[%add3A_207] : memref<4202496xf32, #tpu.memory_space<hbm>> -> memref<4104xf32, #tpu.memory_space<hbm>>
      %dma_wait3A_217 = arith.constant 0 : i32
      %dma_wait3A_218 = tpu.memref_slice %arg13[%dma_wait3A_217] : memref<4112xf32, #tpu.memory_space<vmem>> -> memref<4104xf32, #tpu.memory_space<vmem>>
      %dma_wait3A_219 = tpu.memref_slice %arg3[%add3A_207] : memref<4202496xf32, #tpu.memory_space<hbm>> -> memref<4104xf32, #tpu.memory_space<hbm>>
      tpu.wait_dma2 semaphore(%arg21 : memref<!tpu.dma_semaphore, #tpu.memory_space<semaphore_mem>>) src(%dma_wait3A_219 : memref<4104xf32, #tpu.memory_space<hbm>>) dst(%dma_wait3A_218 : memref<4104xf32, #tpu.memory_space<vmem>>)
      %while3A_220 = arith.constant 0 : i32
      %while3A_221 = arith.subi %select_n3A, %while3A_220 : i32
      %while3A_222 = arith.addi %while3A_220, %while3A_221 : i32
      %while3A_223 = arith.constant 1 : i32
      %while3A_224 = arith.divsi %while3A_221, %while3A_223 : i32
      %while3A_225 = arith.muli %while3A_224, %while3A_223 : i32
      %while3A_226 = arith.addi %while3A_220, %while3A_225 : i32
      %while3A_227 = arith.constant 1 : i32
      %while3A_228 = scf.for %while3A_384 = %while3A_220 to %while3A_226 step %while3A_227 iter_args(%while3A_385 = %scan3A_180) -> (vector<16xf32>)  : i32 {
        %mul3A_386 = arith.constant 4 : i32
        %mul3A_387 = arith.muli %while3A_384, %mul3A_386 : i32
        %add3A_388 = arith.constant 0 : i32
        %add3A_389 = arith.addi %mul3A_387, %add3A_388 : i32
        %mul3A_390 = arith.constant 16 : i32
        %mul3A_391 = arith.muli %add3A_389, %mul3A_390 : i32
        %get3A = arith.index_cast %mul3A_391 : i32 to index
        %get3A_392 = tpu.vector_load %arg7[%get3A] {strides = array<i32>} : memref<43840xi32, #tpu.memory_space<vmem>>, vector<16xi32>,
        %gather3A = tpu.vector_load_idx %arg9[%get3A_392] : memref<4112xf32, #tpu.memory_space<vmem>>[vector<16xi32>], vector<16xf32>,
        %gather3A_393 = tpu.vector_load_idx %arg13[%get3A_392] : memref<4112xf32, #tpu.memory_space<vmem>>[vector<16xi32>], vector<16xf32>,
        %sub3A_394 = arith.subf %gather3A, %gather3A_393 : vector<16xf32>
        %abs3A = math.absf %sub3A_394 : vector<16xf32>
        %add3A_395 = arith.addf %while3A_385, %abs3A : vector<16xf32>
        %mul3A_396 = arith.constant 4 : i32
        %mul3A_397 = arith.muli %while3A_384, %mul3A_396 : i32
        %add3A_398 = arith.constant 1 : i32
        %add3A_399 = arith.addi %mul3A_397, %add3A_398 : i32
        %mul3A_400 = arith.constant 16 : i32
        %mul3A_401 = arith.muli %add3A_399, %mul3A_400 : i32
        %get3A_402 = arith.index_cast %mul3A_401 : i32 to index
        %get3A_403 = tpu.vector_load %arg7[%get3A_402] {strides = array<i32>} : memref<43840xi32, #tpu.memory_space<vmem>>, vector<16xi32>,
        %gather3A_404 = tpu.vector_load_idx %arg9[%get3A_403] : memref<4112xf32, #tpu.memory_space<vmem>>[vector<16xi32>], vector<16xf32>,
        %gather3A_405 = tpu.vector_load_idx %arg13[%get3A_403] : memref<4112xf32, #tpu.memory_space<vmem>>[vector<16xi32>], vector<16xf32>,
        %sub3A_406 = arith.subf %gather3A_404, %gather3A_405 : vector<16xf32>
        %abs3A_407 = math.absf %sub3A_406 : vector<16xf32>
        %add3A_408 = arith.addf %add3A_395, %abs3A_407 : vector<16xf32>
        %mul3A_409 = arith.constant 4 : i32
        %mul3A_410 = arith.muli %while3A_384, %mul3A_409 : i32
        %add3A_411 = arith.constant 2 : i32
        %add3A_412 = arith.addi %mul3A_410, %add3A_411 : i32
        %mul3A_413 = arith.constant 16 : i32
        %mul3A_414 = arith.muli %add3A_412, %mul3A_413 : i32
        %get3A_415 = arith.index_cast %mul3A_414 : i32 to index
        %get3A_416 = tpu.vector_load %arg7[%get3A_415] {strides = array<i32>} : memref<43840xi32, #tpu.memory_space<vmem>>, vector<16xi32>,
        %gather3A_417 = tpu.vector_load_idx %arg9[%get3A_416] : memref<4112xf32, #tpu.memory_space<vmem>>[vector<16xi32>], vector<16xf32>,
        %gather3A_418 = tpu.vector_load_idx %arg13[%get3A_416] : memref<4112xf32, #tpu.memory_space<vmem>>[vector<16xi32>], vector<16xf32>,
        %sub3A_419 = arith.subf %gather3A_417, %gather3A_418 : vector<16xf32>
        %abs3A_420 = math.absf %sub3A_419 : vector<16xf32>
        %add3A_421 = arith.addf %add3A_408, %abs3A_420 : vector<16xf32>
        %mul3A_422 = arith.constant 4 : i32
        %mul3A_423 = arith.muli %while3A_384, %mul3A_422 : i32
        %add3A_424 = arith.constant 3 : i32
        %add3A_425 = arith.addi %mul3A_423, %add3A_424 : i32
        %mul3A_426 = arith.constant 16 : i32
        %mul3A_427 = arith.muli %add3A_425, %mul3A_426 : i32
        %get3A_428 = arith.index_cast %mul3A_427 : i32 to index
        %get3A_429 = tpu.vector_load %arg7[%get3A_428] {strides = array<i32>} : memref<43840xi32, #tpu.memory_space<vmem>>, vector<16xi32>,
        %gather3A_430 = tpu.vector_load_idx %arg9[%get3A_429] : memref<4112xf32, #tpu.memory_space<vmem>>[vector<16xi32>], vector<16xf32>,
        %gather3A_431 = tpu.vector_load_idx %arg13[%get3A_429] : memref<4112xf32, #tpu.memory_space<vmem>>[vector<16xi32>], vector<16xf32>,
        %sub3A_432 = arith.subf %gather3A_430, %gather3A_431 : vector<16xf32>
        %abs3A_433 = math.absf %sub3A_432 : vector<16xf32>
        %add3A_434 = arith.addf %add3A_421, %abs3A_433 : vector<16xf32>
        scf.yield %add3A_434 : vector<16xf32>
      }
      %while3A_229 = arith.constant 1 : i32
      %while3A_230 = scf.for %while3A_384 = %while3A_226 to %while3A_222 step %while3A_229 iter_args(%while3A_385 = %while3A_228) -> (vector<16xf32>)  : i32 {
        %mul3A_386 = arith.constant 4 : i32
        %mul3A_387 = arith.muli %while3A_384, %mul3A_386 : i32
        %add3A_388 = arith.constant 0 : i32
        %add3A_389 = arith.addi %mul3A_387, %add3A_388 : i32
        %mul3A_390 = arith.constant 16 : i32
        %mul3A_391 = arith.muli %add3A_389, %mul3A_390 : i32
        %get3A = arith.index_cast %mul3A_391 : i32 to index
        %get3A_392 = tpu.vector_load %arg7[%get3A] {strides = array<i32>} : memref<43840xi32, #tpu.memory_space<vmem>>, vector<16xi32>,
        %gather3A = tpu.vector_load_idx %arg9[%get3A_392] : memref<4112xf32, #tpu.memory_space<vmem>>[vector<16xi32>], vector<16xf32>,
        %gather3A_393 = tpu.vector_load_idx %arg13[%get3A_392] : memref<4112xf32, #tpu.memory_space<vmem>>[vector<16xi32>], vector<16xf32>,
        %sub3A_394 = arith.subf %gather3A, %gather3A_393 : vector<16xf32>
        %abs3A = math.absf %sub3A_394 : vector<16xf32>
        %add3A_395 = arith.addf %while3A_385, %abs3A : vector<16xf32>
        %mul3A_396 = arith.constant 4 : i32
        %mul3A_397 = arith.muli %while3A_384, %mul3A_396 : i32
        %add3A_398 = arith.constant 1 : i32
        %add3A_399 = arith.addi %mul3A_397, %add3A_398 : i32
        %mul3A_400 = arith.constant 16 : i32
        %mul3A_401 = arith.muli %add3A_399, %mul3A_400 : i32
        %get3A_402 = arith.index_cast %mul3A_401 : i32 to index
        %get3A_403 = tpu.vector_load %arg7[%get3A_402] {strides = array<i32>} : memref<43840xi32, #tpu.memory_space<vmem>>, vector<16xi32>,
        %gather3A_404 = tpu.vector_load_idx %arg9[%get3A_403] : memref<4112xf32, #tpu.memory_space<vmem>>[vector<16xi32>], vector<16xf32>,
        %gather3A_405 = tpu.vector_load_idx %arg13[%get3A_403] : memref<4112xf32, #tpu.memory_space<vmem>>[vector<16xi32>], vector<16xf32>,
        %sub3A_406 = arith.subf %gather3A_404, %gather3A_405 : vector<16xf32>
        %abs3A_407 = math.absf %sub3A_406 : vector<16xf32>
        %add3A_408 = arith.addf %add3A_395, %abs3A_407 : vector<16xf32>
        %mul3A_409 = arith.constant 4 : i32
        %mul3A_410 = arith.muli %while3A_384, %mul3A_409 : i32
        %add3A_411 = arith.constant 2 : i32
        %add3A_412 = arith.addi %mul3A_410, %add3A_411 : i32
        %mul3A_413 = arith.constant 16 : i32
        %mul3A_414 = arith.muli %add3A_412, %mul3A_413 : i32
        %get3A_415 = arith.index_cast %mul3A_414 : i32 to index
        %get3A_416 = tpu.vector_load %arg7[%get3A_415] {strides = array<i32>} : memref<43840xi32, #tpu.memory_space<vmem>>, vector<16xi32>,
        %gather3A_417 = tpu.vector_load_idx %arg9[%get3A_416] : memref<4112xf32, #tpu.memory_space<vmem>>[vector<16xi32>], vector<16xf32>,
        %gather3A_418 = tpu.vector_load_idx %arg13[%get3A_416] : memref<4112xf32, #tpu.memory_space<vmem>>[vector<16xi32>], vector<16xf32>,
        %sub3A_419 = arith.subf %gather3A_417, %gather3A_418 : vector<16xf32>
        %abs3A_420 = math.absf %sub3A_419 : vector<16xf32>
        %add3A_421 = arith.addf %add3A_408, %abs3A_420 : vector<16xf32>
        %mul3A_422 = arith.constant 4 : i32
        %mul3A_423 = arith.muli %while3A_384, %mul3A_422 : i32
        %add3A_424 = arith.constant 3 : i32
        %add3A_425 = arith.addi %mul3A_423, %add3A_424 : i32
        %mul3A_426 = arith.constant 16 : i32
        %mul3A_427 = arith.muli %add3A_425, %mul3A_426 : i32
        %get3A_428 = arith.index_cast %mul3A_427 : i32 to index
        %get3A_429 = tpu.vector_load %arg7[%get3A_428] {strides = array<i32>} : memref<43840xi32, #tpu.memory_space<vmem>>, vector<16xi32>,
        %gather3A_430 = tpu.vector_load_idx %arg9[%get3A_429] : memref<4112xf32, #tpu.memory_space<vmem>>[vector<16xi32>], vector<16xf32>,
        %gather3A_431 = tpu.vector_load_idx %arg13[%get3A_429] : memref<4112xf32, #tpu.memory_space<vmem>>[vector<16xi32>], vector<16xf32>,
        %sub3A_432 = arith.subf %gather3A_430, %gather3A_431 : vector<16xf32>
        %abs3A_433 = math.absf %sub3A_432 : vector<16xf32>
        %add3A_434 = arith.addf %add3A_421, %abs3A_433 : vector<16xf32>
        scf.yield %add3A_434 : vector<16xf32>
      }
      %mul3A_231 = arith.constant 4 : i32
      %mul3A_232 = arith.muli %scan3A_179, %mul3A_231 : i32
      %add3A_233 = arith.constant 1 : i32
      %add3A_234 = arith.addi %mul3A_232, %add3A_233 : i32
      %add3A_235 = arith.constant 4 : i32
      %add3A_236 = arith.addi %add3A_234, %add3A_235 : i32
      %sub3A_237 = arith.constant 1 : i32
      %sub3A_238 = arith.subi %add3A_236, %sub3A_237 : i32
      %min3A_239 = arith.constant 31 : i32
      %min3A_240 = arith.minsi %sub3A_238, %min3A_239 : i32
      %mul3A_241 = arith.constant 131328 : i32
      %mul3A_242 = arith.muli %min3A_240, %mul3A_241 : i32
      %add3A_243 = arith.addi %mul3A_242, %mul3A_2 : i32
      %dma_start3A_244 = arith.constant 0 : i32
      %dma_start3A_245 = tpu.memref_slice %arg9[%dma_start3A_244] : memref<4112xf32, #tpu.memory_space<vmem>> -> memref<4104xf32, #tpu.memory_space<vmem>>
      %dma_start3A_246 = tpu.memref_slice %arg2[%add3A_243] : memref<4202496xf32, #tpu.memory_space<hbm>> -> memref<4104xf32, #tpu.memory_space<hbm>>
      %dma_start3A_247 = arith.constant 0 : i32
      %dma_start3A_248 = tpu.memref_slice %arg9[%dma_start3A_247] : memref<4112xf32, #tpu.memory_space<vmem>> -> memref<4104xf32, #tpu.memory_space<vmem>>
      %dma_start3A_249 = tpu.memref_slice %arg2[%add3A_243] : memref<4202496xf32, #tpu.memory_space<hbm>> -> memref<4104xf32, #tpu.memory_space<hbm>>
      tpu.enqueue_dma source(%dma_start3A_249 : memref<4104xf32, #tpu.memory_space<hbm>>) target(%dma_start3A_248 : memref<4104xf32, #tpu.memory_space<vmem>>) target_semaphore(%arg17 : memref<!tpu.dma_semaphore, #tpu.memory_space<semaphore_mem>>)
      %dma_start3A_250 = arith.constant 0 : i32
      %dma_start3A_251 = tpu.memref_slice %arg13[%dma_start3A_250] : memref<4112xf32, #tpu.memory_space<vmem>> -> memref<4104xf32, #tpu.memory_space<vmem>>
      %dma_start3A_252 = tpu.memref_slice %arg3[%add3A_243] : memref<4202496xf32, #tpu.memory_space<hbm>> -> memref<4104xf32, #tpu.memory_space<hbm>>
      %dma_start3A_253 = arith.constant 0 : i32
      %dma_start3A_254 = tpu.memref_slice %arg13[%dma_start3A_253] : memref<4112xf32, #tpu.memory_space<vmem>> -> memref<4104xf32, #tpu.memory_space<vmem>>
      %dma_start3A_255 = tpu.memref_slice %arg3[%add3A_243] : memref<4202496xf32, #tpu.memory_space<hbm>> -> memref<4104xf32, #tpu.memory_space<hbm>>
      tpu.enqueue_dma source(%dma_start3A_255 : memref<4104xf32, #tpu.memory_space<hbm>>) target(%dma_start3A_254 : memref<4104xf32, #tpu.memory_space<vmem>>) target_semaphore(%arg21 : memref<!tpu.dma_semaphore, #tpu.memory_space<semaphore_mem>>)
      %mul3A_256 = arith.constant 131328 : i32
      %mul3A_257 = arith.muli %add3A_234, %mul3A_256 : i32
      %add3A_258 = arith.addi %mul3A_257, %mul3A_2 : i32
      %dma_wait3A_259 = arith.constant 0 : i32
      %dma_wait3A_260 = tpu.memref_slice %arg10[%dma_wait3A_259] : memref<4112xf32, #tpu.memory_space<vmem>> -> memref<4104xf32, #tpu.memory_space<vmem>>
      %dma_wait3A_261 = tpu.memref_slice %arg2[%add3A_258] : memref<4202496xf32, #tpu.memory_space<hbm>> -> memref<4104xf32, #tpu.memory_space<hbm>>
      %dma_wait3A_262 = arith.constant 0 : i32
      %dma_wait3A_263 = tpu.memref_slice %arg10[%dma_wait3A_262] : memref<4112xf32, #tpu.memory_space<vmem>> -> memref<4104xf32, #tpu.memory_space<vmem>>
      %dma_wait3A_264 = tpu.memref_slice %arg2[%add3A_258] : memref<4202496xf32, #tpu.memory_space<hbm>> -> memref<4104xf32, #tpu.memory_space<hbm>>
      tpu.wait_dma2 semaphore(%arg18 : memref<!tpu.dma_semaphore, #tpu.memory_space<semaphore_mem>>) src(%dma_wait3A_264 : memref<4104xf32, #tpu.memory_space<hbm>>) dst(%dma_wait3A_263 : memref<4104xf32, #tpu.memory_space<vmem>>)
      %dma_wait3A_265 = arith.constant 0 : i32
      %dma_wait3A_266 = tpu.memref_slice %arg14[%dma_wait3A_265] : memref<4112xf32, #tpu.memory_space<vmem>> -> memref<4104xf32, #tpu.memory_space<vmem>>
      %dma_wait3A_267 = tpu.memref_slice %arg3[%add3A_258] : memref<4202496xf32, #tpu.memory_space<hbm>> -> memref<4104xf32, #tpu.memory_space<hbm>>
      %dma_wait3A_268 = arith.constant 0 : i32
      %dma_wait3A_269 = tpu.memref_slice %arg14[%dma_wait3A_268] : memref<4112xf32, #tpu.memory_space<vmem>> -> memref<4104xf32, #tpu.memory_space<vmem>>
      %dma_wait3A_270 = tpu.memref_slice %arg3[%add3A_258] : memref<4202496xf32, #tpu.memory_space<hbm>> -> memref<4104xf32, #tpu.memory_space<hbm>>
      tpu.wait_dma2 semaphore(%arg22 : memref<!tpu.dma_semaphore, #tpu.memory_space<semaphore_mem>>) src(%dma_wait3A_270 : memref<4104xf32, #tpu.memory_space<hbm>>) dst(%dma_wait3A_269 : memref<4104xf32, #tpu.memory_space<vmem>>)
      %while3A_271 = arith.constant 0 : i32
      %while3A_272 = arith.subi %select_n3A, %while3A_271 : i32
      %while3A_273 = arith.addi %while3A_271, %while3A_272 : i32
      %while3A_274 = arith.constant 1 : i32
      %while3A_275 = arith.divsi %while3A_272, %while3A_274 : i32
      %while3A_276 = arith.muli %while3A_275, %while3A_274 : i32
      %while3A_277 = arith.addi %while3A_271, %while3A_276 : i32
      %while3A_278 = arith.constant 1 : i32
      %while3A_279 = scf.for %while3A_384 = %while3A_271 to %while3A_277 step %while3A_278 iter_args(%while3A_385 = %while3A_230) -> (vector<16xf32>)  : i32 {
        %mul3A_386 = arith.constant 4 : i32
        %mul3A_387 = arith.muli %while3A_384, %mul3A_386 : i32
        %add3A_388 = arith.constant 0 : i32
        %add3A_389 = arith.addi %mul3A_387, %add3A_388 : i32
        %mul3A_390 = arith.constant 16 : i32
        %mul3A_391 = arith.muli %add3A_389, %mul3A_390 : i32
        %get3A = arith.index_cast %mul3A_391 : i32 to index
        %get3A_392 = tpu.vector_load %arg7[%get3A] {strides = array<i32>} : memref<43840xi32, #tpu.memory_space<vmem>>, vector<16xi32>,
        %gather3A = tpu.vector_load_idx %arg10[%get3A_392] : memref<4112xf32, #tpu.memory_space<vmem>>[vector<16xi32>], vector<16xf32>,
        %gather3A_393 = tpu.vector_load_idx %arg14[%get3A_392] : memref<4112xf32, #tpu.memory_space<vmem>>[vector<16xi32>], vector<16xf32>,
        %sub3A_394 = arith.subf %gather3A, %gather3A_393 : vector<16xf32>
        %abs3A = math.absf %sub3A_394 : vector<16xf32>
        %add3A_395 = arith.addf %while3A_385, %abs3A : vector<16xf32>
        %mul3A_396 = arith.constant 4 : i32
        %mul3A_397 = arith.muli %while3A_384, %mul3A_396 : i32
        %add3A_398 = arith.constant 1 : i32
        %add3A_399 = arith.addi %mul3A_397, %add3A_398 : i32
        %mul3A_400 = arith.constant 16 : i32
        %mul3A_401 = arith.muli %add3A_399, %mul3A_400 : i32
        %get3A_402 = arith.index_cast %mul3A_401 : i32 to index
        %get3A_403 = tpu.vector_load %arg7[%get3A_402] {strides = array<i32>} : memref<43840xi32, #tpu.memory_space<vmem>>, vector<16xi32>,
        %gather3A_404 = tpu.vector_load_idx %arg10[%get3A_403] : memref<4112xf32, #tpu.memory_space<vmem>>[vector<16xi32>], vector<16xf32>,
        %gather3A_405 = tpu.vector_load_idx %arg14[%get3A_403] : memref<4112xf32, #tpu.memory_space<vmem>>[vector<16xi32>], vector<16xf32>,
        %sub3A_406 = arith.subf %gather3A_404, %gather3A_405 : vector<16xf32>
        %abs3A_407 = math.absf %sub3A_406 : vector<16xf32>
        %add3A_408 = arith.addf %add3A_395, %abs3A_407 : vector<16xf32>
        %mul3A_409 = arith.constant 4 : i32
        %mul3A_410 = arith.muli %while3A_384, %mul3A_409 : i32
        %add3A_411 = arith.constant 2 : i32
        %add3A_412 = arith.addi %mul3A_410, %add3A_411 : i32
        %mul3A_413 = arith.constant 16 : i32
        %mul3A_414 = arith.muli %add3A_412, %mul3A_413 : i32
        %get3A_415 = arith.index_cast %mul3A_414 : i32 to index
        %get3A_416 = tpu.vector_load %arg7[%get3A_415] {strides = array<i32>} : memref<43840xi32, #tpu.memory_space<vmem>>, vector<16xi32>,
        %gather3A_417 = tpu.vector_load_idx %arg10[%get3A_416] : memref<4112xf32, #tpu.memory_space<vmem>>[vector<16xi32>], vector<16xf32>,
        %gather3A_418 = tpu.vector_load_idx %arg14[%get3A_416] : memref<4112xf32, #tpu.memory_space<vmem>>[vector<16xi32>], vector<16xf32>,
        %sub3A_419 = arith.subf %gather3A_417, %gather3A_418 : vector<16xf32>
        %abs3A_420 = math.absf %sub3A_419 : vector<16xf32>
        %add3A_421 = arith.addf %add3A_408, %abs3A_420 : vector<16xf32>
        %mul3A_422 = arith.constant 4 : i32
        %mul3A_423 = arith.muli %while3A_384, %mul3A_422 : i32
        %add3A_424 = arith.constant 3 : i32
        %add3A_425 = arith.addi %mul3A_423, %add3A_424 : i32
        %mul3A_426 = arith.constant 16 : i32
        %mul3A_427 = arith.muli %add3A_425, %mul3A_426 : i32
        %get3A_428 = arith.index_cast %mul3A_427 : i32 to index
        %get3A_429 = tpu.vector_load %arg7[%get3A_428] {strides = array<i32>} : memref<43840xi32, #tpu.memory_space<vmem>>, vector<16xi32>,
        %gather3A_430 = tpu.vector_load_idx %arg10[%get3A_429] : memref<4112xf32, #tpu.memory_space<vmem>>[vector<16xi32>], vector<16xf32>,
        %gather3A_431 = tpu.vector_load_idx %arg14[%get3A_429] : memref<4112xf32, #tpu.memory_space<vmem>>[vector<16xi32>], vector<16xf32>,
        %sub3A_432 = arith.subf %gather3A_430, %gather3A_431 : vector<16xf32>
        %abs3A_433 = math.absf %sub3A_432 : vector<16xf32>
        %add3A_434 = arith.addf %add3A_421, %abs3A_433 : vector<16xf32>
        scf.yield %add3A_434 : vector<16xf32>
      }
      %while3A_280 = arith.constant 1 : i32
      %while3A_281 = scf.for %while3A_384 = %while3A_277 to %while3A_273 step %while3A_280 iter_args(%while3A_385 = %while3A_279) -> (vector<16xf32>)  : i32 {
        %mul3A_386 = arith.constant 4 : i32
        %mul3A_387 = arith.muli %while3A_384, %mul3A_386 : i32
        %add3A_388 = arith.constant 0 : i32
        %add3A_389 = arith.addi %mul3A_387, %add3A_388 : i32
        %mul3A_390 = arith.constant 16 : i32
        %mul3A_391 = arith.muli %add3A_389, %mul3A_390 : i32
        %get3A = arith.index_cast %mul3A_391 : i32 to index
        %get3A_392 = tpu.vector_load %arg7[%get3A] {strides = array<i32>} : memref<43840xi32, #tpu.memory_space<vmem>>, vector<16xi32>,
        %gather3A = tpu.vector_load_idx %arg10[%get3A_392] : memref<4112xf32, #tpu.memory_space<vmem>>[vector<16xi32>], vector<16xf32>,
        %gather3A_393 = tpu.vector_load_idx %arg14[%get3A_392] : memref<4112xf32, #tpu.memory_space<vmem>>[vector<16xi32>], vector<16xf32>,
        %sub3A_394 = arith.subf %gather3A, %gather3A_393 : vector<16xf32>
        %abs3A = math.absf %sub3A_394 : vector<16xf32>
        %add3A_395 = arith.addf %while3A_385, %abs3A : vector<16xf32>
        %mul3A_396 = arith.constant 4 : i32
        %mul3A_397 = arith.muli %while3A_384, %mul3A_396 : i32
        %add3A_398 = arith.constant 1 : i32
        %add3A_399 = arith.addi %mul3A_397, %add3A_398 : i32
        %mul3A_400 = arith.constant 16 : i32
        %mul3A_401 = arith.muli %add3A_399, %mul3A_400 : i32
        %get3A_402 = arith.index_cast %mul3A_401 : i32 to index
        %get3A_403 = tpu.vector_load %arg7[%get3A_402] {strides = array<i32>} : memref<43840xi32, #tpu.memory_space<vmem>>, vector<16xi32>,
        %gather3A_404 = tpu.vector_load_idx %arg10[%get3A_403] : memref<4112xf32, #tpu.memory_space<vmem>>[vector<16xi32>], vector<16xf32>,
        %gather3A_405 = tpu.vector_load_idx %arg14[%get3A_403] : memref<4112xf32, #tpu.memory_space<vmem>>[vector<16xi32>], vector<16xf32>,
        %sub3A_406 = arith.subf %gather3A_404, %gather3A_405 : vector<16xf32>
        %abs3A_407 = math.absf %sub3A_406 : vector<16xf32>
        %add3A_408 = arith.addf %add3A_395, %abs3A_407 : vector<16xf32>
        %mul3A_409 = arith.constant 4 : i32
        %mul3A_410 = arith.muli %while3A_384, %mul3A_409 : i32
        %add3A_411 = arith.constant 2 : i32
        %add3A_412 = arith.addi %mul3A_410, %add3A_411 : i32
        %mul3A_413 = arith.constant 16 : i32
        %mul3A_414 = arith.muli %add3A_412, %mul3A_413 : i32
        %get3A_415 = arith.index_cast %mul3A_414 : i32 to index
        %get3A_416 = tpu.vector_load %arg7[%get3A_415] {strides = array<i32>} : memref<43840xi32, #tpu.memory_space<vmem>>, vector<16xi32>,
        %gather3A_417 = tpu.vector_load_idx %arg10[%get3A_416] : memref<4112xf32, #tpu.memory_space<vmem>>[vector<16xi32>], vector<16xf32>,
        %gather3A_418 = tpu.vector_load_idx %arg14[%get3A_416] : memref<4112xf32, #tpu.memory_space<vmem>>[vector<16xi32>], vector<16xf32>,
        %sub3A_419 = arith.subf %gather3A_417, %gather3A_418 : vector<16xf32>
        %abs3A_420 = math.absf %sub3A_419 : vector<16xf32>
        %add3A_421 = arith.addf %add3A_408, %abs3A_420 : vector<16xf32>
        %mul3A_422 = arith.constant 4 : i32
        %mul3A_423 = arith.muli %while3A_384, %mul3A_422 : i32
        %add3A_424 = arith.constant 3 : i32
        %add3A_425 = arith.addi %mul3A_423, %add3A_424 : i32
        %mul3A_426 = arith.constant 16 : i32
        %mul3A_427 = arith.muli %add3A_425, %mul3A_426 : i32
        %get3A_428 = arith.index_cast %mul3A_427 : i32 to index
        %get3A_429 = tpu.vector_load %arg7[%get3A_428] {strides = array<i32>} : memref<43840xi32, #tpu.memory_space<vmem>>, vector<16xi32>,
        %gather3A_430 = tpu.vector_load_idx %arg10[%get3A_429] : memref<4112xf32, #tpu.memory_space<vmem>>[vector<16xi32>], vector<16xf32>,
        %gather3A_431 = tpu.vector_load_idx %arg14[%get3A_429] : memref<4112xf32, #tpu.memory_space<vmem>>[vector<16xi32>], vector<16xf32>,
        %sub3A_432 = arith.subf %gather3A_430, %gather3A_431 : vector<16xf32>
        %abs3A_433 = math.absf %sub3A_432 : vector<16xf32>
        %add3A_434 = arith.addf %add3A_421, %abs3A_433 : vector<16xf32>
        scf.yield %add3A_434 : vector<16xf32>
      }
      %mul3A_282 = arith.constant 4 : i32
      %mul3A_283 = arith.muli %scan3A_179, %mul3A_282 : i32
      %add3A_284 = arith.constant 2 : i32
      %add3A_285 = arith.addi %mul3A_283, %add3A_284 : i32
      %add3A_286 = arith.constant 4 : i32
      %add3A_287 = arith.addi %add3A_285, %add3A_286 : i32
      %sub3A_288 = arith.constant 1 : i32
      %sub3A_289 = arith.subi %add3A_287, %sub3A_288 : i32
      %min3A_290 = arith.constant 31 : i32
      %min3A_291 = arith.minsi %sub3A_289, %min3A_290 : i32
      %mul3A_292 = arith.constant 131328 : i32
      %mul3A_293 = arith.muli %min3A_291, %mul3A_292 : i32
      %add3A_294 = arith.addi %mul3A_293, %mul3A_2 : i32
      %dma_start3A_295 = arith.constant 0 : i32
      %dma_start3A_296 = tpu.memref_slice %arg10[%dma_start3A_295] : memref<4112xf32, #tpu.memory_space<vmem>> -> memref<4104xf32, #tpu.memory_space<vmem>>
      %dma_start3A_297 = tpu.memref_slice %arg2[%add3A_294] : memref<4202496xf32, #tpu.memory_space<hbm>> -> memref<4104xf32, #tpu.memory_space<hbm>>
      %dma_start3A_298 = arith.constant 0 : i32
      %dma_start3A_299 = tpu.memref_slice %arg10[%dma_start3A_298] : memref<4112xf32, #tpu.memory_space<vmem>> -> memref<4104xf32, #tpu.memory_space<vmem>>
      %dma_start3A_300 = tpu.memref_slice %arg2[%add3A_294] : memref<4202496xf32, #tpu.memory_space<hbm>> -> memref<4104xf32, #tpu.memory_space<hbm>>
      tpu.enqueue_dma source(%dma_start3A_300 : memref<4104xf32, #tpu.memory_space<hbm>>) target(%dma_start3A_299 : memref<4104xf32, #tpu.memory_space<vmem>>) target_semaphore(%arg18 : memref<!tpu.dma_semaphore, #tpu.memory_space<semaphore_mem>>)
      %dma_start3A_301 = arith.constant 0 : i32
      %dma_start3A_302 = tpu.memref_slice %arg14[%dma_start3A_301] : memref<4112xf32, #tpu.memory_space<vmem>> -> memref<4104xf32, #tpu.memory_space<vmem>>
      %dma_start3A_303 = tpu.memref_slice %arg3[%add3A_294] : memref<4202496xf32, #tpu.memory_space<hbm>> -> memref<4104xf32, #tpu.memory_space<hbm>>
      %dma_start3A_304 = arith.constant 0 : i32
      %dma_start3A_305 = tpu.memref_slice %arg14[%dma_start3A_304] : memref<4112xf32, #tpu.memory_space<vmem>> -> memref<4104xf32, #tpu.memory_space<vmem>>
      %dma_start3A_306 = tpu.memref_slice %arg3[%add3A_294] : memref<4202496xf32, #tpu.memory_space<hbm>> -> memref<4104xf32, #tpu.memory_space<hbm>>
      tpu.enqueue_dma source(%dma_start3A_306 : memref<4104xf32, #tpu.memory_space<hbm>>) target(%dma_start3A_305 : memref<4104xf32, #tpu.memory_space<vmem>>) target_semaphore(%arg22 : memref<!tpu.dma_semaphore, #tpu.memory_space<semaphore_mem>>)
      %mul3A_307 = arith.constant 131328 : i32
      %mul3A_308 = arith.muli %add3A_285, %mul3A_307 : i32
      %add3A_309 = arith.addi %mul3A_308, %mul3A_2 : i32
      %dma_wait3A_310 = arith.constant 0 : i32
      %dma_wait3A_311 = tpu.memref_slice %arg11[%dma_wait3A_310] : memref<4112xf32, #tpu.memory_space<vmem>> -> memref<4104xf32, #tpu.memory_space<vmem>>
      %dma_wait3A_312 = tpu.memref_slice %arg2[%add3A_309] : memref<4202496xf32, #tpu.memory_space<hbm>> -> memref<4104xf32, #tpu.memory_space<hbm>>
      %dma_wait3A_313 = arith.constant 0 : i32
      %dma_wait3A_314 = tpu.memref_slice %arg11[%dma_wait3A_313] : memref<4112xf32, #tpu.memory_space<vmem>> -> memref<4104xf32, #tpu.memory_space<vmem>>
      %dma_wait3A_315 = tpu.memref_slice %arg2[%add3A_309] : memref<4202496xf32, #tpu.memory_space<hbm>> -> memref<4104xf32, #tpu.memory_space<hbm>>
      tpu.wait_dma2 semaphore(%arg19 : memref<!tpu.dma_semaphore, #tpu.memory_space<semaphore_mem>>) src(%dma_wait3A_315 : memref<4104xf32, #tpu.memory_space<hbm>>) dst(%dma_wait3A_314 : memref<4104xf32, #tpu.memory_space<vmem>>)
      %dma_wait3A_316 = arith.constant 0 : i32
      %dma_wait3A_317 = tpu.memref_slice %arg15[%dma_wait3A_316] : memref<4112xf32, #tpu.memory_space<vmem>> -> memref<4104xf32, #tpu.memory_space<vmem>>
      %dma_wait3A_318 = tpu.memref_slice %arg3[%add3A_309] : memref<4202496xf32, #tpu.memory_space<hbm>> -> memref<4104xf32, #tpu.memory_space<hbm>>
      %dma_wait3A_319 = arith.constant 0 : i32
      %dma_wait3A_320 = tpu.memref_slice %arg15[%dma_wait3A_319] : memref<4112xf32, #tpu.memory_space<vmem>> -> memref<4104xf32, #tpu.memory_space<vmem>>
      %dma_wait3A_321 = tpu.memref_slice %arg3[%add3A_309] : memref<4202496xf32, #tpu.memory_space<hbm>> -> memref<4104xf32, #tpu.memory_space<hbm>>
      tpu.wait_dma2 semaphore(%arg23 : memref<!tpu.dma_semaphore, #tpu.memory_space<semaphore_mem>>) src(%dma_wait3A_321 : memref<4104xf32, #tpu.memory_space<hbm>>) dst(%dma_wait3A_320 : memref<4104xf32, #tpu.memory_space<vmem>>)
      %while3A_322 = arith.constant 0 : i32
      %while3A_323 = arith.subi %select_n3A, %while3A_322 : i32
      %while3A_324 = arith.addi %while3A_322, %while3A_323 : i32
      %while3A_325 = arith.constant 1 : i32
      %while3A_326 = arith.divsi %while3A_323, %while3A_325 : i32
      %while3A_327 = arith.muli %while3A_326, %while3A_325 : i32
      %while3A_328 = arith.addi %while3A_322, %while3A_327 : i32
      %while3A_329 = arith.constant 1 : i32
      %while3A_330 = scf.for %while3A_384 = %while3A_322 to %while3A_328 step %while3A_329 iter_args(%while3A_385 = %while3A_281) -> (vector<16xf32>)  : i32 {
        %mul3A_386 = arith.constant 4 : i32
        %mul3A_387 = arith.muli %while3A_384, %mul3A_386 : i32
        %add3A_388 = arith.constant 0 : i32
        %add3A_389 = arith.addi %mul3A_387, %add3A_388 : i32
        %mul3A_390 = arith.constant 16 : i32
        %mul3A_391 = arith.muli %add3A_389, %mul3A_390 : i32
        %get3A = arith.index_cast %mul3A_391 : i32 to index
        %get3A_392 = tpu.vector_load %arg7[%get3A] {strides = array<i32>} : memref<43840xi32, #tpu.memory_space<vmem>>, vector<16xi32>,
        %gather3A = tpu.vector_load_idx %arg11[%get3A_392] : memref<4112xf32, #tpu.memory_space<vmem>>[vector<16xi32>], vector<16xf32>,
        %gather3A_393 = tpu.vector_load_idx %arg15[%get3A_392] : memref<4112xf32, #tpu.memory_space<vmem>>[vector<16xi32>], vector<16xf32>,
        %sub3A_394 = arith.subf %gather3A, %gather3A_393 : vector<16xf32>
        %abs3A = math.absf %sub3A_394 : vector<16xf32>
        %add3A_395 = arith.addf %while3A_385, %abs3A : vector<16xf32>
        %mul3A_396 = arith.constant 4 : i32
        %mul3A_397 = arith.muli %while3A_384, %mul3A_396 : i32
        %add3A_398 = arith.constant 1 : i32
        %add3A_399 = arith.addi %mul3A_397, %add3A_398 : i32
        %mul3A_400 = arith.constant 16 : i32
        %mul3A_401 = arith.muli %add3A_399, %mul3A_400 : i32
        %get3A_402 = arith.index_cast %mul3A_401 : i32 to index
        %get3A_403 = tpu.vector_load %arg7[%get3A_402] {strides = array<i32>} : memref<43840xi32, #tpu.memory_space<vmem>>, vector<16xi32>,
        %gather3A_404 = tpu.vector_load_idx %arg11[%get3A_403] : memref<4112xf32, #tpu.memory_space<vmem>>[vector<16xi32>], vector<16xf32>,
        %gather3A_405 = tpu.vector_load_idx %arg15[%get3A_403] : memref<4112xf32, #tpu.memory_space<vmem>>[vector<16xi32>], vector<16xf32>,
        %sub3A_406 = arith.subf %gather3A_404, %gather3A_405 : vector<16xf32>
        %abs3A_407 = math.absf %sub3A_406 : vector<16xf32>
        %add3A_408 = arith.addf %add3A_395, %abs3A_407 : vector<16xf32>
        %mul3A_409 = arith.constant 4 : i32
        %mul3A_410 = arith.muli %while3A_384, %mul3A_409 : i32
        %add3A_411 = arith.constant 2 : i32
        %add3A_412 = arith.addi %mul3A_410, %add3A_411 : i32
        %mul3A_413 = arith.constant 16 : i32
        %mul3A_414 = arith.muli %add3A_412, %mul3A_413 : i32
        %get3A_415 = arith.index_cast %mul3A_414 : i32 to index
        %get3A_416 = tpu.vector_load %arg7[%get3A_415] {strides = array<i32>} : memref<43840xi32, #tpu.memory_space<vmem>>, vector<16xi32>,
        %gather3A_417 = tpu.vector_load_idx %arg11[%get3A_416] : memref<4112xf32, #tpu.memory_space<vmem>>[vector<16xi32>], vector<16xf32>,
        %gather3A_418 = tpu.vector_load_idx %arg15[%get3A_416] : memref<4112xf32, #tpu.memory_space<vmem>>[vector<16xi32>], vector<16xf32>,
        %sub3A_419 = arith.subf %gather3A_417, %gather3A_418 : vector<16xf32>
        %abs3A_420 = math.absf %sub3A_419 : vector<16xf32>
        %add3A_421 = arith.addf %add3A_408, %abs3A_420 : vector<16xf32>
        %mul3A_422 = arith.constant 4 : i32
        %mul3A_423 = arith.muli %while3A_384, %mul3A_422 : i32
        %add3A_424 = arith.constant 3 : i32
        %add3A_425 = arith.addi %mul3A_423, %add3A_424 : i32
        %mul3A_426 = arith.constant 16 : i32
        %mul3A_427 = arith.muli %add3A_425, %mul3A_426 : i32
        %get3A_428 = arith.index_cast %mul3A_427 : i32 to index
        %get3A_429 = tpu.vector_load %arg7[%get3A_428] {strides = array<i32>} : memref<43840xi32, #tpu.memory_space<vmem>>, vector<16xi32>,
        %gather3A_430 = tpu.vector_load_idx %arg11[%get3A_429] : memref<4112xf32, #tpu.memory_space<vmem>>[vector<16xi32>], vector<16xf32>,
        %gather3A_431 = tpu.vector_load_idx %arg15[%get3A_429] : memref<4112xf32, #tpu.memory_space<vmem>>[vector<16xi32>], vector<16xf32>,
        %sub3A_432 = arith.subf %gather3A_430, %gather3A_431 : vector<16xf32>
        %abs3A_433 = math.absf %sub3A_432 : vector<16xf32>
        %add3A_434 = arith.addf %add3A_421, %abs3A_433 : vector<16xf32>
        scf.yield %add3A_434 : vector<16xf32>
      }
      %while3A_331 = arith.constant 1 : i32
      %while3A_332 = scf.for %while3A_384 = %while3A_328 to %while3A_324 step %while3A_331 iter_args(%while3A_385 = %while3A_330) -> (vector<16xf32>)  : i32 {
        %mul3A_386 = arith.constant 4 : i32
        %mul3A_387 = arith.muli %while3A_384, %mul3A_386 : i32
        %add3A_388 = arith.constant 0 : i32
        %add3A_389 = arith.addi %mul3A_387, %add3A_388 : i32
        %mul3A_390 = arith.constant 16 : i32
        %mul3A_391 = arith.muli %add3A_389, %mul3A_390 : i32
        %get3A = arith.index_cast %mul3A_391 : i32 to index
        %get3A_392 = tpu.vector_load %arg7[%get3A] {strides = array<i32>} : memref<43840xi32, #tpu.memory_space<vmem>>, vector<16xi32>,
        %gather3A = tpu.vector_load_idx %arg11[%get3A_392] : memref<4112xf32, #tpu.memory_space<vmem>>[vector<16xi32>], vector<16xf32>,
        %gather3A_393 = tpu.vector_load_idx %arg15[%get3A_392] : memref<4112xf32, #tpu.memory_space<vmem>>[vector<16xi32>], vector<16xf32>,
        %sub3A_394 = arith.subf %gather3A, %gather3A_393 : vector<16xf32>
        %abs3A = math.absf %sub3A_394 : vector<16xf32>
        %add3A_395 = arith.addf %while3A_385, %abs3A : vector<16xf32>
        %mul3A_396 = arith.constant 4 : i32
        %mul3A_397 = arith.muli %while3A_384, %mul3A_396 : i32
        %add3A_398 = arith.constant 1 : i32
        %add3A_399 = arith.addi %mul3A_397, %add3A_398 : i32
        %mul3A_400 = arith.constant 16 : i32
        %mul3A_401 = arith.muli %add3A_399, %mul3A_400 : i32
        %get3A_402 = arith.index_cast %mul3A_401 : i32 to index
        %get3A_403 = tpu.vector_load %arg7[%get3A_402] {strides = array<i32>} : memref<43840xi32, #tpu.memory_space<vmem>>, vector<16xi32>,
        %gather3A_404 = tpu.vector_load_idx %arg11[%get3A_403] : memref<4112xf32, #tpu.memory_space<vmem>>[vector<16xi32>], vector<16xf32>,
        %gather3A_405 = tpu.vector_load_idx %arg15[%get3A_403] : memref<4112xf32, #tpu.memory_space<vmem>>[vector<16xi32>], vector<16xf32>,
        %sub3A_406 = arith.subf %gather3A_404, %gather3A_405 : vector<16xf32>
        %abs3A_407 = math.absf %sub3A_406 : vector<16xf32>
        %add3A_408 = arith.addf %add3A_395, %abs3A_407 : vector<16xf32>
        %mul3A_409 = arith.constant 4 : i32
        %mul3A_410 = arith.muli %while3A_384, %mul3A_409 : i32
        %add3A_411 = arith.constant 2 : i32
        %add3A_412 = arith.addi %mul3A_410, %add3A_411 : i32
        %mul3A_413 = arith.constant 16 : i32
        %mul3A_414 = arith.muli %add3A_412, %mul3A_413 : i32
        %get3A_415 = arith.index_cast %mul3A_414 : i32 to index
        %get3A_416 = tpu.vector_load %arg7[%get3A_415] {strides = array<i32>} : memref<43840xi32, #tpu.memory_space<vmem>>, vector<16xi32>,
        %gather3A_417 = tpu.vector_load_idx %arg11[%get3A_416] : memref<4112xf32, #tpu.memory_space<vmem>>[vector<16xi32>], vector<16xf32>,
        %gather3A_418 = tpu.vector_load_idx %arg15[%get3A_416] : memref<4112xf32, #tpu.memory_space<vmem>>[vector<16xi32>], vector<16xf32>,
        %sub3A_419 = arith.subf %gather3A_417, %gather3A_418 : vector<16xf32>
        %abs3A_420 = math.absf %sub3A_419 : vector<16xf32>
        %add3A_421 = arith.addf %add3A_408, %abs3A_420 : vector<16xf32>
        %mul3A_422 = arith.constant 4 : i32
        %mul3A_423 = arith.muli %while3A_384, %mul3A_422 : i32
        %add3A_424 = arith.constant 3 : i32
        %add3A_425 = arith.addi %mul3A_423, %add3A_424 : i32
        %mul3A_426 = arith.constant 16 : i32
        %mul3A_427 = arith.muli %add3A_425, %mul3A_426 : i32
        %get3A_428 = arith.index_cast %mul3A_427 : i32 to index
        %get3A_429 = tpu.vector_load %arg7[%get3A_428] {strides = array<i32>} : memref<43840xi32, #tpu.memory_space<vmem>>, vector<16xi32>,
        %gather3A_430 = tpu.vector_load_idx %arg11[%get3A_429] : memref<4112xf32, #tpu.memory_space<vmem>>[vector<16xi32>], vector<16xf32>,
        %gather3A_431 = tpu.vector_load_idx %arg15[%get3A_429] : memref<4112xf32, #tpu.memory_space<vmem>>[vector<16xi32>], vector<16xf32>,
        %sub3A_432 = arith.subf %gather3A_430, %gather3A_431 : vector<16xf32>
        %abs3A_433 = math.absf %sub3A_432 : vector<16xf32>
        %add3A_434 = arith.addf %add3A_421, %abs3A_433 : vector<16xf32>
        scf.yield %add3A_434 : vector<16xf32>
      }
      %mul3A_333 = arith.constant 4 : i32
      %mul3A_334 = arith.muli %scan3A_179, %mul3A_333 : i32
      %add3A_335 = arith.constant 3 : i32
      %add3A_336 = arith.addi %mul3A_334, %add3A_335 : i32
      %add3A_337 = arith.constant 4 : i32
      %add3A_338 = arith.addi %add3A_336, %add3A_337 : i32
      %sub3A_339 = arith.constant 1 : i32
      %sub3A_340 = arith.subi %add3A_338, %sub3A_339 : i32
      %min3A_341 = arith.constant 31 : i32
      %min3A_342 = arith.minsi %sub3A_340, %min3A_341 : i32
      %mul3A_343 = arith.constant 131328 : i32
      %mul3A_344 = arith.muli %min3A_342, %mul3A_343 : i32
      %add3A_345 = arith.addi %mul3A_344, %mul3A_2 : i32
      %dma_start3A_346 = arith.constant 0 : i32
      %dma_start3A_347 = tpu.memref_slice %arg11[%dma_start3A_346] : memref<4112xf32, #tpu.memory_space<vmem>> -> memref<4104xf32, #tpu.memory_space<vmem>>
      %dma_start3A_348 = tpu.memref_slice %arg2[%add3A_345] : memref<4202496xf32, #tpu.memory_space<hbm>> -> memref<4104xf32, #tpu.memory_space<hbm>>
      %dma_start3A_349 = arith.constant 0 : i32
      %dma_start3A_350 = tpu.memref_slice %arg11[%dma_start3A_349] : memref<4112xf32, #tpu.memory_space<vmem>> -> memref<4104xf32, #tpu.memory_space<vmem>>
      %dma_start3A_351 = tpu.memref_slice %arg2[%add3A_345] : memref<4202496xf32, #tpu.memory_space<hbm>> -> memref<4104xf32, #tpu.memory_space<hbm>>
      tpu.enqueue_dma source(%dma_start3A_351 : memref<4104xf32, #tpu.memory_space<hbm>>) target(%dma_start3A_350 : memref<4104xf32, #tpu.memory_space<vmem>>) target_semaphore(%arg19 : memref<!tpu.dma_semaphore, #tpu.memory_space<semaphore_mem>>)
      %dma_start3A_352 = arith.constant 0 : i32
      %dma_start3A_353 = tpu.memref_slice %arg15[%dma_start3A_352] : memref<4112xf32, #tpu.memory_space<vmem>> -> memref<4104xf32, #tpu.memory_space<vmem>>
      %dma_start3A_354 = tpu.memref_slice %arg3[%add3A_345] : memref<4202496xf32, #tpu.memory_space<hbm>> -> memref<4104xf32, #tpu.memory_space<hbm>>
      %dma_start3A_355 = arith.constant 0 : i32
      %dma_start3A_356 = tpu.memref_slice %arg15[%dma_start3A_355] : memref<4112xf32, #tpu.memory_space<vmem>> -> memref<4104xf32, #tpu.memory_space<vmem>>
      %dma_start3A_357 = tpu.memref_slice %arg3[%add3A_345] : memref<4202496xf32, #tpu.memory_space<hbm>> -> memref<4104xf32, #tpu.memory_space<hbm>>
      tpu.enqueue_dma source(%dma_start3A_357 : memref<4104xf32, #tpu.memory_space<hbm>>) target(%dma_start3A_356 : memref<4104xf32, #tpu.memory_space<vmem>>) target_semaphore(%arg23 : memref<!tpu.dma_semaphore, #tpu.memory_space<semaphore_mem>>)
      %mul3A_358 = arith.constant 131328 : i32
      %mul3A_359 = arith.muli %add3A_336, %mul3A_358 : i32
      %add3A_360 = arith.addi %mul3A_359, %mul3A_2 : i32
      %dma_wait3A_361 = arith.constant 0 : i32
      %dma_wait3A_362 = tpu.memref_slice %arg12[%dma_wait3A_361] : memref<4112xf32, #tpu.memory_space<vmem>> -> memref<4104xf32, #tpu.memory_space<vmem>>
      %dma_wait3A_363 = tpu.memref_slice %arg2[%add3A_360] : memref<4202496xf32, #tpu.memory_space<hbm>> -> memref<4104xf32, #tpu.memory_space<hbm>>
      %dma_wait3A_364 = arith.constant 0 : i32
      %dma_wait3A_365 = tpu.memref_slice %arg12[%dma_wait3A_364] : memref<4112xf32, #tpu.memory_space<vmem>> -> memref<4104xf32, #tpu.memory_space<vmem>>
      %dma_wait3A_366 = tpu.memref_slice %arg2[%add3A_360] : memref<4202496xf32, #tpu.memory_space<hbm>> -> memref<4104xf32, #tpu.memory_space<hbm>>
      tpu.wait_dma2 semaphore(%arg20 : memref<!tpu.dma_semaphore, #tpu.memory_space<semaphore_mem>>) src(%dma_wait3A_366 : memref<4104xf32, #tpu.memory_space<hbm>>) dst(%dma_wait3A_365 : memref<4104xf32, #tpu.memory_space<vmem>>)
      %dma_wait3A_367 = arith.constant 0 : i32
      %dma_wait3A_368 = tpu.memref_slice %arg16[%dma_wait3A_367] : memref<4112xf32, #tpu.memory_space<vmem>> -> memref<4104xf32, #tpu.memory_space<vmem>>
      %dma_wait3A_369 = tpu.memref_slice %arg3[%add3A_360] : memref<4202496xf32, #tpu.memory_space<hbm>> -> memref<4104xf32, #tpu.memory_space<hbm>>
      %dma_wait3A_370 = arith.constant 0 : i32
      %dma_wait3A_371 = tpu.memref_slice %arg16[%dma_wait3A_370] : memref<4112xf32, #tpu.memory_space<vmem>> -> memref<4104xf32, #tpu.memory_space<vmem>>
      %dma_wait3A_372 = tpu.memref_slice %arg3[%add3A_360] : memref<4202496xf32, #tpu.memory_space<hbm>> -> memref<4104xf32, #tpu.memory_space<hbm>>
      tpu.wait_dma2 semaphore(%arg24 : memref<!tpu.dma_semaphore, #tpu.memory_space<semaphore_mem>>) src(%dma_wait3A_372 : memref<4104xf32, #tpu.memory_space<hbm>>) dst(%dma_wait3A_371 : memref<4104xf32, #tpu.memory_space<vmem>>)
      %while3A_373 = arith.constant 0 : i32
      %while3A_374 = arith.subi %select_n3A, %while3A_373 : i32
      %while3A_375 = arith.addi %while3A_373, %while3A_374 : i32
      %while3A_376 = arith.constant 1 : i32
      %while3A_377 = arith.divsi %while3A_374, %while3A_376 : i32
      %while3A_378 = arith.muli %while3A_377, %while3A_376 : i32
      %while3A_379 = arith.addi %while3A_373, %while3A_378 : i32
      %while3A_380 = arith.constant 1 : i32
      %while3A_381 = scf.for %while3A_384 = %while3A_373 to %while3A_379 step %while3A_380 iter_args(%while3A_385 = %while3A_332) -> (vector<16xf32>)  : i32 {
        %mul3A_386 = arith.constant 4 : i32
        %mul3A_387 = arith.muli %while3A_384, %mul3A_386 : i32
        %add3A_388 = arith.constant 0 : i32
        %add3A_389 = arith.addi %mul3A_387, %add3A_388 : i32
        %mul3A_390 = arith.constant 16 : i32
        %mul3A_391 = arith.muli %add3A_389, %mul3A_390 : i32
        %get3A = arith.index_cast %mul3A_391 : i32 to index
        %get3A_392 = tpu.vector_load %arg7[%get3A] {strides = array<i32>} : memref<43840xi32, #tpu.memory_space<vmem>>, vector<16xi32>,
        %gather3A = tpu.vector_load_idx %arg12[%get3A_392] : memref<4112xf32, #tpu.memory_space<vmem>>[vector<16xi32>], vector<16xf32>,
        %gather3A_393 = tpu.vector_load_idx %arg16[%get3A_392] : memref<4112xf32, #tpu.memory_space<vmem>>[vector<16xi32>], vector<16xf32>,
        %sub3A_394 = arith.subf %gather3A, %gather3A_393 : vector<16xf32>
        %abs3A = math.absf %sub3A_394 : vector<16xf32>
        %add3A_395 = arith.addf %while3A_385, %abs3A : vector<16xf32>
        %mul3A_396 = arith.constant 4 : i32
        %mul3A_397 = arith.muli %while3A_384, %mul3A_396 : i32
        %add3A_398 = arith.constant 1 : i32
        %add3A_399 = arith.addi %mul3A_397, %add3A_398 : i32
        %mul3A_400 = arith.constant 16 : i32
        %mul3A_401 = arith.muli %add3A_399, %mul3A_400 : i32
        %get3A_402 = arith.index_cast %mul3A_401 : i32 to index
        %get3A_403 = tpu.vector_load %arg7[%get3A_402] {strides = array<i32>} : memref<43840xi32, #tpu.memory_space<vmem>>, vector<16xi32>,
        %gather3A_404 = tpu.vector_load_idx %arg12[%get3A_403] : memref<4112xf32, #tpu.memory_space<vmem>>[vector<16xi32>], vector<16xf32>,
        %gather3A_405 = tpu.vector_load_idx %arg16[%get3A_403] : memref<4112xf32, #tpu.memory_space<vmem>>[vector<16xi32>], vector<16xf32>,
        %sub3A_406 = arith.subf %gather3A_404, %gather3A_405 : vector<16xf32>
        %abs3A_407 = math.absf %sub3A_406 : vector<16xf32>
        %add3A_408 = arith.addf %add3A_395, %abs3A_407 : vector<16xf32>
        %mul3A_409 = arith.constant 4 : i32
        %mul3A_410 = arith.muli %while3A_384, %mul3A_409 : i32
        %add3A_411 = arith.constant 2 : i32
        %add3A_412 = arith.addi %mul3A_410, %add3A_411 : i32
        %mul3A_413 = arith.constant 16 : i32
        %mul3A_414 = arith.muli %add3A_412, %mul3A_413 : i32
        %get3A_415 = arith.index_cast %mul3A_414 : i32 to index
        %get3A_416 = tpu.vector_load %arg7[%get3A_415] {strides = array<i32>} : memref<43840xi32, #tpu.memory_space<vmem>>, vector<16xi32>,
        %gather3A_417 = tpu.vector_load_idx %arg12[%get3A_416] : memref<4112xf32, #tpu.memory_space<vmem>>[vector<16xi32>], vector<16xf32>,
        %gather3A_418 = tpu.vector_load_idx %arg16[%get3A_416] : memref<4112xf32, #tpu.memory_space<vmem>>[vector<16xi32>], vector<16xf32>,
        %sub3A_419 = arith.subf %gather3A_417, %gather3A_418 : vector<16xf32>
        %abs3A_420 = math.absf %sub3A_419 : vector<16xf32>
        %add3A_421 = arith.addf %add3A_408, %abs3A_420 : vector<16xf32>
        %mul3A_422 = arith.constant 4 : i32
        %mul3A_423 = arith.muli %while3A_384, %mul3A_422 : i32
        %add3A_424 = arith.constant 3 : i32
        %add3A_425 = arith.addi %mul3A_423, %add3A_424 : i32
        %mul3A_426 = arith.constant 16 : i32
        %mul3A_427 = arith.muli %add3A_425, %mul3A_426 : i32
        %get3A_428 = arith.index_cast %mul3A_427 : i32 to index
        %get3A_429 = tpu.vector_load %arg7[%get3A_428] {strides = array<i32>} : memref<43840xi32, #tpu.memory_space<vmem>>, vector<16xi32>,
        %gather3A_430 = tpu.vector_load_idx %arg12[%get3A_429] : memref<4112xf32, #tpu.memory_space<vmem>>[vector<16xi32>], vector<16xf32>,
        %gather3A_431 = tpu.vector_load_idx %arg16[%get3A_429] : memref<4112xf32, #tpu.memory_space<vmem>>[vector<16xi32>], vector<16xf32>,
        %sub3A_432 = arith.subf %gather3A_430, %gather3A_431 : vector<16xf32>
        %abs3A_433 = math.absf %sub3A_432 : vector<16xf32>
        %add3A_434 = arith.addf %add3A_421, %abs3A_433 : vector<16xf32>
        scf.yield %add3A_434 : vector<16xf32>
      }
      %while3A_382 = arith.constant 1 : i32
      %while3A_383 = scf.for %while3A_384 = %while3A_379 to %while3A_375 step %while3A_382 iter_args(%while3A_385 = %while3A_381) -> (vector<16xf32>)  : i32 {
        %mul3A_386 = arith.constant 4 : i32
        %mul3A_387 = arith.muli %while3A_384, %mul3A_386 : i32
        %add3A_388 = arith.constant 0 : i32
        %add3A_389 = arith.addi %mul3A_387, %add3A_388 : i32
        %mul3A_390 = arith.constant 16 : i32
        %mul3A_391 = arith.muli %add3A_389, %mul3A_390 : i32
        %get3A = arith.index_cast %mul3A_391 : i32 to index
        %get3A_392 = tpu.vector_load %arg7[%get3A] {strides = array<i32>} : memref<43840xi32, #tpu.memory_space<vmem>>, vector<16xi32>,
        %gather3A = tpu.vector_load_idx %arg12[%get3A_392] : memref<4112xf32, #tpu.memory_space<vmem>>[vector<16xi32>], vector<16xf32>,
        %gather3A_393 = tpu.vector_load_idx %arg16[%get3A_392] : memref<4112xf32, #tpu.memory_space<vmem>>[vector<16xi32>], vector<16xf32>,
        %sub3A_394 = arith.subf %gather3A, %gather3A_393 : vector<16xf32>
        %abs3A = math.absf %sub3A_394 : vector<16xf32>
        %add3A_395 = arith.addf %while3A_385, %abs3A : vector<16xf32>
        %mul3A_396 = arith.constant 4 : i32
        %mul3A_397 = arith.muli %while3A_384, %mul3A_396 : i32
        %add3A_398 = arith.constant 1 : i32
        %add3A_399 = arith.addi %mul3A_397, %add3A_398 : i32
        %mul3A_400 = arith.constant 16 : i32
        %mul3A_401 = arith.muli %add3A_399, %mul3A_400 : i32
        %get3A_402 = arith.index_cast %mul3A_401 : i32 to index
        %get3A_403 = tpu.vector_load %arg7[%get3A_402] {strides = array<i32>} : memref<43840xi32, #tpu.memory_space<vmem>>, vector<16xi32>,
        %gather3A_404 = tpu.vector_load_idx %arg12[%get3A_403] : memref<4112xf32, #tpu.memory_space<vmem>>[vector<16xi32>], vector<16xf32>,
        %gather3A_405 = tpu.vector_load_idx %arg16[%get3A_403] : memref<4112xf32, #tpu.memory_space<vmem>>[vector<16xi32>], vector<16xf32>,
        %sub3A_406 = arith.subf %gather3A_404, %gather3A_405 : vector<16xf32>
        %abs3A_407 = math.absf %sub3A_406 : vector<16xf32>
        %add3A_408 = arith.addf %add3A_395, %abs3A_407 : vector<16xf32>
        %mul3A_409 = arith.constant 4 : i32
        %mul3A_410 = arith.muli %while3A_384, %mul3A_409 : i32
        %add3A_411 = arith.constant 2 : i32
        %add3A_412 = arith.addi %mul3A_410, %add3A_411 : i32
        %mul3A_413 = arith.constant 16 : i32
        %mul3A_414 = arith.muli %add3A_412, %mul3A_413 : i32
        %get3A_415 = arith.index_cast %mul3A_414 : i32 to index
        %get3A_416 = tpu.vector_load %arg7[%get3A_415] {strides = array<i32>} : memref<43840xi32, #tpu.memory_space<vmem>>, vector<16xi32>,
        %gather3A_417 = tpu.vector_load_idx %arg12[%get3A_416] : memref<4112xf32, #tpu.memory_space<vmem>>[vector<16xi32>], vector<16xf32>,
        %gather3A_418 = tpu.vector_load_idx %arg16[%get3A_416] : memref<4112xf32, #tpu.memory_space<vmem>>[vector<16xi32>], vector<16xf32>,
        %sub3A_419 = arith.subf %gather3A_417, %gather3A_418 : vector<16xf32>
        %abs3A_420 = math.absf %sub3A_419 : vector<16xf32>
        %add3A_421 = arith.addf %add3A_408, %abs3A_420 : vector<16xf32>
        %mul3A_422 = arith.constant 4 : i32
        %mul3A_423 = arith.muli %while3A_384, %mul3A_422 : i32
        %add3A_424 = arith.constant 3 : i32
        %add3A_425 = arith.addi %mul3A_423, %add3A_424 : i32
        %mul3A_426 = arith.constant 16 : i32
        %mul3A_427 = arith.muli %add3A_425, %mul3A_426 : i32
        %get3A_428 = arith.index_cast %mul3A_427 : i32 to index
        %get3A_429 = tpu.vector_load %arg7[%get3A_428] {strides = array<i32>} : memref<43840xi32, #tpu.memory_space<vmem>>, vector<16xi32>,
        %gather3A_430 = tpu.vector_load_idx %arg12[%get3A_429] : memref<4112xf32, #tpu.memory_space<vmem>>[vector<16xi32>], vector<16xf32>,
        %gather3A_431 = tpu.vector_load_idx %arg16[%get3A_429] : memref<4112xf32, #tpu.memory_space<vmem>>[vector<16xi32>], vector<16xf32>,
        %sub3A_432 = arith.subf %gather3A_430, %gather3A_431 : vector<16xf32>
        %abs3A_433 = math.absf %sub3A_432 : vector<16xf32>
        %add3A_434 = arith.addf %add3A_421, %abs3A_433 : vector<16xf32>
        scf.yield %add3A_434 : vector<16xf32>
      }
      scf.yield %while3A_383 : vector<16xf32>
    }
    %scan3A_135 = arith.constant 8 : i32
    %add3A_136 = arith.constant 4071168 : i32
    %add3A_137 = arith.addi %add3A_136, %mul3A_2 : i32
    %dma_wait3A = arith.constant 0 : i32
    %dma_wait3A_138 = tpu.memref_slice %arg9[%dma_wait3A] : memref<4112xf32, #tpu.memory_space<vmem>> -> memref<4104xf32, #tpu.memory_space<vmem>>
    %dma_wait3A_139 = tpu.memref_slice %arg2[%add3A_137] : memref<4202496xf32, #tpu.memory_space<hbm>> -> memref<4104xf32, #tpu.memory_space<hbm>>
    %dma_wait3A_140 = arith.constant 0 : i32
    %dma_wait3A_141 = tpu.memref_slice %arg9[%dma_wait3A_140] : memref<4112xf32, #tpu.memory_space<vmem>> -> memref<4104xf32, #tpu.memory_space<vmem>>
    %dma_wait3A_142 = tpu.memref_slice %arg2[%add3A_137] : memref<4202496xf32, #tpu.memory_space<hbm>> -> memref<4104xf32, #tpu.memory_space<hbm>>
    tpu.wait_dma2 semaphore(%arg17 : memref<!tpu.dma_semaphore, #tpu.memory_space<semaphore_mem>>) src(%dma_wait3A_142 : memref<4104xf32, #tpu.memory_space<hbm>>) dst(%dma_wait3A_141 : memref<4104xf32, #tpu.memory_space<vmem>>)
    %dma_wait3A_143 = arith.constant 0 : i32
    %dma_wait3A_144 = tpu.memref_slice %arg13[%dma_wait3A_143] : memref<4112xf32, #tpu.memory_space<vmem>> -> memref<4104xf32, #tpu.memory_space<vmem>>
    %dma_wait3A_145 = tpu.memref_slice %arg3[%add3A_137] : memref<4202496xf32, #tpu.memory_space<hbm>> -> memref<4104xf32, #tpu.memory_space<hbm>>
    %dma_wait3A_146 = arith.constant 0 : i32
    %dma_wait3A_147 = tpu.memref_slice %arg13[%dma_wait3A_146] : memref<4112xf32, #tpu.memory_space<vmem>> -> memref<4104xf32, #tpu.memory_space<vmem>>
    %dma_wait3A_148 = tpu.memref_slice %arg3[%add3A_137] : memref<4202496xf32, #tpu.memory_space<hbm>> -> memref<4104xf32, #tpu.memory_space<hbm>>
    tpu.wait_dma2 semaphore(%arg21 : memref<!tpu.dma_semaphore, #tpu.memory_space<semaphore_mem>>) src(%dma_wait3A_148 : memref<4104xf32, #tpu.memory_space<hbm>>) dst(%dma_wait3A_147 : memref<4104xf32, #tpu.memory_space<vmem>>)
    %add3A_149 = arith.constant 4071168 : i32
    %add3A_150 = arith.addi %add3A_149, %mul3A_2 : i32
    %dma_wait3A_151 = arith.constant 0 : i32
    %dma_wait3A_152 = tpu.memref_slice %arg10[%dma_wait3A_151] : memref<4112xf32, #tpu.memory_space<vmem>> -> memref<4104xf32, #tpu.memory_space<vmem>>
    %dma_wait3A_153 = tpu.memref_slice %arg2[%add3A_150] : memref<4202496xf32, #tpu.memory_space<hbm>> -> memref<4104xf32, #tpu.memory_space<hbm>>
    %dma_wait3A_154 = arith.constant 0 : i32
    %dma_wait3A_155 = tpu.memref_slice %arg10[%dma_wait3A_154] : memref<4112xf32, #tpu.memory_space<vmem>> -> memref<4104xf32, #tpu.memory_space<vmem>>
    %dma_wait3A_156 = tpu.memref_slice %arg2[%add3A_150] : memref<4202496xf32, #tpu.memory_space<hbm>> -> memref<4104xf32, #tpu.memory_space<hbm>>
    tpu.wait_dma2 semaphore(%arg18 : memref<!tpu.dma_semaphore, #tpu.memory_space<semaphore_mem>>) src(%dma_wait3A_156 : memref<4104xf32, #tpu.memory_space<hbm>>) dst(%dma_wait3A_155 : memref<4104xf32, #tpu.memory_space<vmem>>)
    %dma_wait3A_157 = arith.constant 0 : i32
    %dma_wait3A_158 = tpu.memref_slice %arg14[%dma_wait3A_157] : memref<4112xf32, #tpu.memory_space<vmem>> -> memref<4104xf32, #tpu.memory_space<vmem>>
    %dma_wait3A_159 = tpu.memref_slice %arg3[%add3A_150] : memref<4202496xf32, #tpu.memory_space<hbm>> -> memref<4104xf32, #tpu.memory_space<hbm>>
    %dma_wait3A_160 = arith.constant 0 : i32
    %dma_wait3A_161 = tpu.memref_slice %arg14[%dma_wait3A_160] : memref<4112xf32, #tpu.memory_space<vmem>> -> memref<4104xf32, #tpu.memory_space<vmem>>
    %dma_wait3A_162 = tpu.memref_slice %arg3[%add3A_150] : memref<4202496xf32, #tpu.memory_space<hbm>> -> memref<4104xf32, #tpu.memory_space<hbm>>
    tpu.wait_dma2 semaphore(%arg22 : memref<!tpu.dma_semaphore, #tpu.memory_space<semaphore_mem>>) src(%dma_wait3A_162 : memref<4104xf32, #tpu.memory_space<hbm>>) dst(%dma_wait3A_161 : memref<4104xf32, #tpu.memory_space<vmem>>)
    %add3A_163 = arith.constant 4071168 : i32
    %add3A_164 = arith.addi %add3A_163, %mul3A_2 : i32
    %dma_wait3A_165 = arith.constant 0 : i32
    %dma_wait3A_166 = tpu.memref_slice %arg11[%dma_wait3A_165] : memref<4112xf32, #tpu.memory_space<vmem>> -> memref<4104xf32, #tpu.memory_space<vmem>>
    %dma_wait3A_167 = tpu.memref_slice %arg2[%add3A_164] : memref<4202496xf32, #tpu.memory_space<hbm>> -> memref<4104xf32, #tpu.memory_space<hbm>>
    %dma_wait3A_168 = arith.constant 0 : i32
    %dma_wait3A_169 = tpu.memref_slice %arg11[%dma_wait3A_168] : memref<4112xf32, #tpu.memory_space<vmem>> -> memref<4104xf32, #tpu.memory_space<vmem>>
    %dma_wait3A_170 = tpu.memref_slice %arg2[%add3A_164] : memref<4202496xf32, #tpu.memory_space<hbm>> -> memref<4104xf32, #tpu.memory_space<hbm>>
    tpu.wait_dma2 semaphore(%arg19 : memref<!tpu.dma_semaphore, #tpu.memory_space<semaphore_mem>>) src(%dma_wait3A_170 : memref<4104xf32, #tpu.memory_space<hbm>>) dst(%dma_wait3A_169 : memref<4104xf32, #tpu.memory_space<vmem>>)
    %dma_wait3A_171 = arith.constant 0 : i32
    %dma_wait3A_172 = tpu.memref_slice %arg15[%dma_wait3A_171] : memref<4112xf32, #tpu.memory_space<vmem>> -> memref<4104xf32, #tpu.memory_space<vmem>>
    %dma_wait3A_173 = tpu.memref_slice %arg3[%add3A_164] : memref<4202496xf32, #tpu.memory_space<hbm>> -> memref<4104xf32, #tpu.memory_space<hbm>>
    %dma_wait3A_174 = arith.constant 0 : i32
    %dma_wait3A_175 = tpu.memref_slice %arg15[%dma_wait3A_174] : memref<4112xf32, #tpu.memory_space<vmem>> -> memref<4104xf32, #tpu.memory_space<vmem>>
    %dma_wait3A_176 = tpu.memref_slice %arg3[%add3A_164] : memref<4202496xf32, #tpu.memory_space<hbm>> -> memref<4104xf32, #tpu.memory_space<hbm>>
    tpu.wait_dma2 semaphore(%arg23 : memref<!tpu.dma_semaphore, #tpu.memory_space<semaphore_mem>>) src(%dma_wait3A_176 : memref<4104xf32, #tpu.memory_space<hbm>>) dst(%dma_wait3A_175 : memref<4104xf32, #tpu.memory_space<vmem>>)
    %swap3A_177 = arith.constant 0 : index
    %swap3A_178 = tpu.vector_load %arg8[%swap3A_177] {strides = array<i32>} : memref<16xf32, #tpu.memory_space<vmem>>, vector<16xf32>,
    tpu.vector_store %arg8[%swap3A_177], %scan3A_134 {strides = array<i32>} : memref<16xf32, #tpu.memory_space<vmem>>, vector<16xf32>,
    "tpu.region"() ({
      %run_scoped3A = tpu.sem_alloc : memref<!tpu.dma_semaphore, #tpu.memory_space<semaphore_mem>>
      %dma_start3A_179 = arith.constant 0 : i32
      %dma_start3A_180 = tpu.memref_slice %arg5[%add3A, %dma_start3A_179] : memref<32x16xf32, #tpu.memory_space<hbm>> -> memref<1x16xf32, #tpu.memory_space<hbm>>
      %dma_start3A_181 = tpu.memref_squeeze %dma_start3A_180 : memref<1x16xf32, #tpu.memory_space<hbm>> -> memref<16xf32, #tpu.memory_space<hbm>>
      %dma_start3A_182 = arith.constant 0 : i32
      %dma_start3A_183 = tpu.memref_slice %arg5[%add3A, %dma_start3A_182] : memref<32x16xf32, #tpu.memory_space<hbm>> -> memref<1x16xf32, #tpu.memory_space<hbm>>
      %dma_start3A_184 = tpu.memref_squeeze %dma_start3A_183 : memref<1x16xf32, #tpu.memory_space<hbm>> -> memref<16xf32, #tpu.memory_space<hbm>>
      tpu.enqueue_dma source(%arg8 : memref<16xf32, #tpu.memory_space<vmem>>) target(%dma_start3A_184 : memref<16xf32, #tpu.memory_space<hbm>>) target_semaphore(%run_scoped3A : memref<!tpu.dma_semaphore, #tpu.memory_space<semaphore_mem>>)
      %dma_wait3A_185 = arith.constant 0 : i32
      %dma_wait3A_186 = tpu.memref_slice %arg5[%add3A, %dma_wait3A_185] : memref<32x16xf32, #tpu.memory_space<hbm>> -> memref<1x16xf32, #tpu.memory_space<hbm>>
      %dma_wait3A_187 = tpu.memref_squeeze %dma_wait3A_186 : memref<1x16xf32, #tpu.memory_space<hbm>> -> memref<16xf32, #tpu.memory_space<hbm>>
      %dma_wait3A_188 = arith.constant 0 : i32
      %dma_wait3A_189 = tpu.memref_slice %arg5[%add3A, %dma_wait3A_188] : memref<32x16xf32, #tpu.memory_space<hbm>> -> memref<1x16xf32, #tpu.memory_space<hbm>>
      %dma_wait3A_190 = tpu.memref_squeeze %dma_wait3A_189 : memref<1x16xf32, #tpu.memory_space<hbm>> -> memref<16xf32, #tpu.memory_space<hbm>>
      tpu.wait_dma2 semaphore(%run_scoped3A : memref<!tpu.dma_semaphore, #tpu.memory_space<semaphore_mem>>) src(%arg8 : memref<16xf32, #tpu.memory_space<vmem>>) dst(%dma_wait3A_190 : memref<16xf32, #tpu.memory_space<hbm>>)
      tpu.yield
    }) : () -> ()
    return
  }
}

</mosaic_0001>

<sc_bundles>
// kernel: _run.3.cloned.1.call-start
scs
__scs_entry_jumppad:
0x0: {  	(pc) =	sbr.rel $0x88, $3  }
0x1: {  	(tag) =	ssettag $0x0;
	lr =	simm.s32 $0x1  }
0x2: {  	[smem:$0x3F9E] =	sst lr;
	_ =	strace $0xD0000000  }
0x3: {  	_ = 	snop  }
0x4: {  	_ = 	snop  }
0x5: {  	_ = 	snop  }
0x6: {  	_ = 	snop  }
0x7: {  	_ = 	snop  }
__scs_overlays_trampoline_lowered:
0x8: {  	[smem:$0x3FAD] =	sst s0  }
0x9: {  	[smem:$0x3FAE] =	sst s1  }
0xa: {  	[smem:$0x3FAF] =	sst s2  }
0xb: {  	[smem:$0x3FB0] =	sst s3  }
0xc: {  	[smem:$0x3FB1] =	sst s4  }
0xd: {  	[smem:$0x3FB2] =	sst s5  }
0xe: {  	[smem:$0x3FB3] =	sst s6  }
0xf: {  	[smem:$0x3FB4] =	sst s7  }
0x10: {  	[smem:$0x3FB5] =	sst s8  }
0x11: {  	[smem:$0x3FB6] =	sst s9;
	s0 =	simm.s32 @!p0 $0x0  }
0x12: {  	s1 =	sld [smem:$0x3F9C];
	s0 =	simm.s32 @p0 $0x1  }
0x13: {  	[smem:$0x3FB7] =	sst s0;
	s0 =	simm.s32 @!p1 $0x0  }
0x14: {  	s2 =	sld [smem:$0x3F9B];
	s0 =	simm.s32 @p1 $0x1  }
0x15: {  	[smem:$0x3FB8] =	sst s0;
	s0 =	simm.s32 @!p2 $0x0  }
0x16: {  	s3 =	sld [smem:$0x3FDB];
	s0 =	simm.s32 @p2 $0x1  }
0x17: {  	s4 =	simm.s32 $0x1BF5;
	[smem:$0x3FBA] =	sst s0  }
0x18: {  	s0 =	sld [smem:$0x3F9D];
	_ =	swait.ge [sflag:s4], $0x0  }
0x19: {  	s7 =	sld [smem:$0x3F9E]  }
0x1a: {  	s8 =	sadd.s32 $0xFFFFE003, lr  }
0x1b: {  	s9 =	sadd.s32 $0xFFFFFEF7, lr;
	s5 =	simm.s32 $0xFFFFFFFF;
	p2 =	slt.u32 s8, $0xFFFFF086  }
0x1c: {  	p1 =	slt.u32 s9, $0xF7A;
	s5 =	simm.s32 @!p2 $0x0  }
0x1d: {  	s5 =	simm.s32 @p1 $0x1;
	p0 =	seq.s32 s7, s2  }
0x1e: {  	s7 =	smul.u32 @!p0 $0xF7A, s2;
	p2 =	seq.s32 @!p0 s5, $0x0  }
0x1f: {  	s9 =	smul.u32 $0xF7A, s1;
	s8 =	simm.s32 @!p0 $0x1BF5;
	p2 =	por !p2, p0  }
0x20: {  	[sflag:s8] =	ssyncset.s32 @!p0 $0xFFFFF086;
	s6 =	sadd.s32 @!p0 s3, s7;
	s7 =	simm.s32 @!p0 $0x108  }
0x21: {  	s3 =	sadd.s32 s3, s9;
	s6 =	sadd.s32 @!p0 $0x88, s6;
	s7 =	simm.s32 @p2 $0x1082  }
0x22: {  	[simem:s7], [sflag:s8] =	dma.local @!p0 [hbm:s6], $0xF7A  }
0x23: {  	s9 =	sor.u32 $0xD0000000, s2;
	s6 =	simm.s32 $0x108;
	_ =	swait.ge @!p0 [sflag:s8], $0x0  }
0x24: {  	s3 =	sadd.s32 $0x88, s3;
	s6 =	simm.s32 @!p1 $0x1082;
	[sflag:s4] =	ssyncset.s32 $0xFFFFF086  }
0x25: {  	[simem:s6], [sflag:s4] =	dma.local [hbm:s3], $0xF7A  }
0x26: {  	[smem:$0x3F9E] =	sst s1;
	(tag) =	ssettag s2;
	_ =	strace s9  }
0x27: {  	s1 =	sld [smem:$0x3FAE]  }
0x28: {  	s2 =	sld [smem:$0x3FAF]  }
0x29: {  	s4 =	sld [smem:$0x3FB1]  }
0x2a: {  	p0 =	seq.s32 s5, $0x0;
	s5 =	sld [smem:$0x3FB2]  }
0x2b: {  	s6 =	sld [smem:$0x3FB3]  }
0x2c: {  	s7 =	sld [smem:$0x3FB4]  }
0x2d: {  	s3 =	simm.s32 $0x108;
	s8 =	sld [smem:$0x3FB5]  }
0x2e: {  	s3 =	simm.s32 @!p0 $0x1082;
	s9 =	sld [smem:$0x3FB6]  }
0x2f: {  	lr =	sadd.s32 s0, s3;
	s0 =	sld [smem:$0x3FAD]  }
0x30: {  	s3 =	sld [smem:$0x3FB0]  }
0x31: {  	[smem:$0x3FB9] =	sst s10  }
0x32: {  	s10 =	sld [smem:$0x3FB7];
	_ =	sdelay $0x3  }
0x33: {  	p0 =	seq.s32 s10, $0x1;
	s10 =	sld [smem:$0x3FB9];
	_ =	sdelay $0x3  }
0x34: {  	[smem:$0x3FB9] =	sst s10  }
0x35: {  	s10 =	sld [smem:$0x3FB8];
	_ =	sdelay $0x3  }
0x36: {  	p1 =	seq.s32 s10, $0x1;
	s10 =	sld [smem:$0x3FB9];
	_ =	sdelay $0x3  }
0x37: {  	[smem:$0x3FB9] =	sst s10  }
0x38: {  	s10 =	sld [smem:$0x3FBA]  }
0x39: {  	_ = 	snop;
	(pc) =	sbr.ind lr, $3  }
0x3a: {  	_ = 	snop  }
0x3b: {  	_ = 	snop  }
0x3c: {  	p2 =	seq.s32 s10, $0x1;
	s10 =	sld [smem:$0x3FB9]  }
0x3d: {  	_ =	shalt  }
0x3e: {  	_ =	shalt  }
0x3f: {  	_ =	shalt  }
0x40: {  	_ =	shalt  }
0x41: {  	_ =	shalt  }
0x42: {  	_ =	shalt  }
0x43: {  	_ =	shalt  }
0x44: {  	_ =	shalt  }
0x45: {  	_ =	shalt  }
0x46: {  	_ =	shalt  }
0x47: {  	_ =	shalt  }
0x48: {  	_ =	shalt  }
0x49: {  	_ =	shalt  }
0x4a: {  	_ =	shalt  }
0x4b: {  	_ =	shalt  }
0x4c: {  	_ =	shalt  }
0x4d: {  	_ =	shalt  }
0x4e: {  	_ =	shalt  }
0x4f: {  	_ =	shalt  }
0x50: {  	_ =	shalt  }
0x51: {  	_ =	shalt  }
0x52: {  	_ =	shalt  }
0x53: {  	_ =	shalt  }
0x54: {  	_ =	shalt  }
0x55: {  	_ =	shalt  }
0x56: {  	_ =	shalt  }
0x57: {  	_ =	shalt  }
0x58: {  	_ =	shalt  }
0x59: {  	_ =	shalt  }
0x5a: {  	_ =	shalt  }
0x5b: {  	_ =	shalt  }
0x5c: {  	_ =	shalt  }
0x5d: {  	_ =	shalt  }
0x5e: {  	_ =	shalt  }
0x5f: {  	_ =	shalt  }
0x60: {  	_ =	shalt  }
0x61: {  	_ =	shalt  }
0x62: {  	_ =	shalt  }
0x63: {  	_ =	shalt  }
0x64: {  	_ =	shalt  }
0x65: {  	_ =	shalt  }
0x66: {  	_ =	shalt  }
0x67: {  	_ =	shalt  }
0x68: {  	_ =	shalt  }
0x69: {  	_ =	shalt  }
0x6a: {  	_ =	shalt  }
0x6b: {  	_ =	shalt  }
0x6c: {  	_ =	shalt  }
0x6d: {  	_ =	shalt  }
0x6e: {  	_ =	shalt  }
0x6f: {  	_ =	shalt  }
0x70: {  	_ =	shalt  }
0x71: {  	_ =	shalt  }
0x72: {  	_ =	shalt  }
0x73: {  	_ =	shalt  }
0x74: {  	_ =	shalt  }
0x75: {  	_ =	shalt  }
0x76: {  	_ =	shalt  }
0x77: {  	_ =	shalt  }
0x78: {  	_ =	shalt  }
0x79: {  	_ =	shalt  }
0x7a: {  	_ =	shalt  }
0x7b: {  	_ =	shalt  }
0x7c: {  	_ =	shalt  }
0x7d: {  	_ =	shalt  }
0x7e: {  	_ =	shalt  }
0x7f: {  	_ =	shalt  }
0x80: {  	_ =	shalt  }
0x81: {  	_ =	shalt  }
0x82: {  	_ =	shalt  }
0x83: {  	_ =	shalt  }
0x84: {  	_ =	shalt  }
0x85: {  	_ =	shalt  }
0x86: {  	_ =	shalt  }
0x87: {  	_ =	shalt  }
.Lfunc_end0:
.L_simem_size_0:
called_computation_lowered:
.L_overlay_start_0:
0x88: {  	s2 =	sld [smem:$0x3FD9]  }
0x89: {  	s3 =	sld [smem:$0x3FFE];
	_ =	sdelay $0x1  }
0x8a: {  	s1 =	srdreg.scid  }
0x8b: {  	s0 =	sand.u32 $0x1, s1  }
0x8c: {  	s17 =	sshll.u32 s0, $0xA;
	s2 =	sadd.s32 s3, s2  }
0x8d: {  	s2 =	sadd.s32 s2, s17  }
0x8e: {  	[smem:$0x3FC5] =	sst s2  }
0x8f: {  	_ = 	snop  }
0x90: {  	s2 =	sld [smem:$0x3FC9]  }
0x91: {  	s18 =	sld [smem:$0x3FC8]  }
0x92: {  	s4 =	sld [smem:$0x3FC7];
	(tm) =	ssettm $0x1  }
0x93: {  	s5 =	sld [smem:$0x3FFB];
	_ =	sdelay $0x3  }
0x94: {  	_ =	strace s5  }
0x95: {  	s5 =	sld [smem:$0x3FFC];
	_ =	sdelay $0x3  }
0x96: {  	_ =	strace s5  }
0x97: {  	s5 =	sld [smem:$0x3FFD];
	_ =	sdelay $0x3  }
0x98: {  	_ =	strace s5  }
0x99: {  	_ =	strace $0x8FFFFFFF  }
0x9a: {  	s19 =	sld [smem:$0x3FDB];
	_ =	sdelay $0x1  }
0x9b: {  	s6 =	simm.s32 $_scs_section_size  }
0x9c: {  	s7 =	simm.s32 $_size__tile_overlayer_lowered;
	s8 =	simm.s32 $_tile_overlayer_lowered  }
0x9d: {  	s22 =	simm.s32 $0x1BFF;
	s21 =	sshll.u32 s8, $0x1;
	s5 =	sadd.s32 s6, s19  }
0x9e: {  	s9 =	simm.s32 $0x0;
	s20 =	sshll.u32 s7, $0x1;
	s7 =	sadd.s32 s21, s5  }
0x9f: {  	[timem:s9], [sflag:s22] =	dma.local [hbm:s7], s20  }
0xa0: {  	_ =	swait.ge [sflag:s22], s20  }
0xa1: {  	s6 =	ssub.s32 $0x0, s20;
	[sflag:s22] =	ssyncset.done $0x0  }
0xa2: {  	[sflag:s22] =	ssyncadd.s32 s6;
	_ =	sdelay $0x1  }
0xa3: {  	s23 =	simm.s32 $0x1B8B  }
0xa4: {  	_ =	swait.ge [sflag:s23], $0x1  }
0xa5: {  	[sflag:s23] =	ssyncset.done $0x0  }
0xa6: {  	s25 =	simm.s32 $0x1B8E;
	s24 =	sld [smem:$0x3FFE];
	[sflag:s23] =	ssyncadd.s32 $0xFFFFFFFF  }
0xa7: {  	s26 =	simm.s32 $execute0_lowered;
	[smem:$0x3FD2] =	sst s25  }
0xa8: {  	s7 =	sshll.u32 s26, $0x1;
	_ =	strace $0x80000046;
	[dreg:$0x1] =	wrdreg $0xFFFFFFFF  }
0xa9: {  	s28 =	simm.s32 $_size_execute0_lowered;
	s5 =	sadd.s32 s5, s7;
	[dreg:$0x0] =	wrdreg $0x0  }
0xaa: {  	s7 =	sshll.u32 s28, $0x1;
	[dreg:$0x2] =	wrdreg s5  }
0xab: {  	[dreg:$0x3] =	wrdreg s7  }
0xac: {  	[dreg:$0x4] =	wrdreg $0xC0  }
0xad: {  	_ =	task [dreg:s9], $0x5FFFF  }
0xae: {  	[dreg:$0x1] =	wrdreg $0xFFFFFFFF  }
0xaf: {  	[dreg:$0x0] =	wrdreg $0x60  }
0xb0: {  	[dreg:$0x2] =	wrdreg s2  }
0xb1: {  	[dreg:$0x3] =	wrdreg s18  }
0xb2: {  	[dreg:$0x4] =	wrdreg s4  }
0xb3: {  	[dreg:$0x5] =	wrdreg s24  }
0xb4: {  	[dreg:$0x6] =	wrdreg $0x9  }
0xb5: {  	_ =	task.clear_ibuf [dreg:s9], $0x7FFFF;
	_ =	strace $0x90000046  }
0xb6: {  	s29 =	simm.s32 $0x9;
	_ =	strace $0x80000048  }
0xb7: {  	_ =	swait.ge [sflag:s29], $0x1  }
0xb8: {  	[sflag:s29] =	ssyncadd.s32 $0xFFFFFFFF  }
0xb9: {  	_ =	strace $0x90000048  }
0xba: {  	_ =	sfence  }
0xbb: {  	s30 =	sld [smem:$0x0];
	_ =	sdelay $0x2  }
0xbc: {  	s31 =	sshll.u32 s1, $0xD;
	s1 =	sshrl.u32 s1, $0x2  }
0xbd: {  	s3 =	sand.u32 $0x4000, s31;
	s1 =	sadd.s32 s1, s30  }
0xbe: {  	s0 =	sor.u32 s3, s0;
	s1 =	sshll.u32 s1, $0x11  }
0xbf: {  	s0 =	sor.u32 s1, s0  }
0xc0: {  	s0 =	sadd.s32 $0x8F2B, s0  }
0xc1: {  	[sflag:s0] =	ssyncadd.remote.s32 $0x1  }
0xc2: {  	_ =	sfence.sel $0xFFFF  }
0xc3: {  	[dreg:$0x0] =	wrdreg $0xFFFFFFFF;
	(pc) =	sbr.abs _section_cstart, $3  }
0xc4: {  	[dreg:$0x1] =	wrdreg $0xFFFFFFFF  }
0xc5: {  	_ =	task.clear_ibuf [dreg:s9], $0x2FFFF;
	_ =	strace $0x9FFFFFFF  }
0xc6: {  	(tm) =	ssettm $0x7FFFFFFF  }
0xc7: {  	_ =	shalt  }
tec
execute0_lowered:
.L_overlay_start_1:
0x0: {  	(tag) =	ssettag $0x1  }
0x1: {  	s1 =	rddreg [dreg:$0x0]  }
0x2: {  	s2 =	rddreg [dreg:$0x1]  }
0x3: {  	s0 =	srdreg.scid;
	s4 =	stileid.u32  }
0x4: {  	s3 =	rddreg [dreg:$0x3];
	s5 =	simm.s32 $0x0;
	s11 =	simm.s32 $0x9  }
0x5: {  	s28 =	simm.s32 $0x1;
	s29 =	simm.s32 $0x18880;
	s30 =	simm.s32 $0x1CA80  }
0x6: {  	s31 =	simm.s32 $0x5;
	s9 =	simm.s32 $0x8;
	s12 =	simm.s32 $0x0  }
0x7: {  	s0 =	sand.u32 $0x1, s0;
	s4 =	sshll.u32 s4, $0x1;
	[smem:$0x7FF] =	sst s5  }
0x8: {  	s4 =	sor.u32 s0, s4;
	_ =	strace $0x80000047;
	s0 =	ssub.s32 $0x2, s0  }
0x9: {  	s6 =	smul.u32 $0x1008, s4;
	s4 =	sshll.u32 s4, $0x4;
	s7 =	sshrl.u32 s0, $0x1  }
0xa: {  	s3 =	sadd.s32 s4, s3;
	s0 =	ssub.s32 s0, s7;
	s7 =	simm.s32 $0x7  }
0xb: {  	s8 =	sshrl.u32 s6, $0x3;
	s13 =	sadd.s32 $0x1008, s6;
	s26 =	sadd.s32 $0x60300, s6  }
0xc: {  	s15 =	sadd.s32 $0x80400, s6;
	s16 =	sadd.s32 $0xA0500, s6;
	s17 =	sadd.s32 $0xC0600, s6  }
0xd: {  	s3 =	sadd.s32 $0x400, s3;
	s0 =	smax.u32 s0, $0x1;
	[dreg:$0xb] =	wrdreg s26  }
0xe: {  	s19 =	sadd.s32 s1, s8;
	s20 =	sadd.s32 s2, s8;
	[dreg:$0xc] =	wrdreg s3  }
0xf: {  	s21 =	sadd.s32 $0x4020, s8;
	s22 =	sadd.s32 $0x8040, s8;
	[dreg:$0xd] =	wrdreg s0  }
0x10: {  	s3 =	simm.s32 $0x2;
	s0 =	simm.s32 $0x6;
	[dreg:$0x5] =	wrdreg s19  }
0x11: {  	s8 =	simm.s32 $0x4;
	[dreg:$0x6] =	wrdreg s20;
	s23 =	sadd.s32 s1, s21  }
.Ltmp0:
0x12: {  	s4 =	sadd.s32 s2, s21;
	[dreg:$0x7] =	wrdreg s23;
	(pc) =	sbr.rel .LBB2_1-.Ltmp0, $4  }
0x13: {  	s24 =	sadd.s32 s1, s22;
	s25 =	sadd.s32 s2, s22;
	[dreg:$0x8] =	wrdreg s4  }
0x14: {  	s20 =	simm.s32 $0x15700;
	s21 =	simm.s32 $0x19900;
	[dreg:$0x9] =	wrdreg s24  }
0x15: {  	s22 =	simm.s32 $0x16780;
	[dreg:$0xa] =	wrdreg s25;
	s23 =	simm.s32 $0x1A980  }
0x16: {  	v1 =	vimm.f32 $0.0e+00;
	v2 =	vimm.s32 $0x100F;
	v0 =	vmov s6;
	s24 =	simm.s32 $0x17800;
	s25 =	simm.s32 $0x1BA00;
	s4 =	simm.s32 $0x3  }
.LBB2_46:
0x17: {  	_ =	swait.ge [sflag:s28], $0x1008  }
0x18: {  	[sflag:s28] =	ssyncset.done $0x0  }
0x19: {  	[sflag:s28] =	ssyncadd.s32 $0xFFFFEFF8  }
0x1a: {  	_ =	swait.ge [sflag:s31], $0x1008  }
0x1b: {  	[sflag:s31] =	ssyncset.done $0x0  }
0x1c: {  	[sflag:s31] =	ssyncadd.s32 $0xFFFFEFF8  }
0x1d: {  	_ =	swait.ge [sflag:s3], $0x1008  }
0x1e: {  	[sflag:s3] =	ssyncset.done $0x0  }
0x1f: {  	[sflag:s3] =	ssyncadd.s32 $0xFFFFEFF8  }
0x20: {  	_ =	swait.ge [sflag:s0], $0x1008  }
0x21: {  	[sflag:s0] =	ssyncset.done $0x0  }
0x22: {  	[sflag:s0] =	ssyncadd.s32 $0xFFFFEFF8  }
0x23: {  	_ =	swait.ge [sflag:s4], $0x1008  }
0x24: {  	[sflag:s4] =	ssyncset.done $0x0  }
0x25: {  	[sflag:s4] =	ssyncadd.s32 $0xFFFFEFF8  }
0x26: {  	_ =	swait.ge [sflag:s7], $0x1008  }
0x27: {  	[sflag:s7] =	ssyncset.done $0x0  }
0x28: {  	[sflag:s7] =	ssyncadd.s32 $0xFFFFEFF8  }
0x29: {  	s11 =	simm.s32 $0x15680;
	s10 =	rddreg [dreg:$0xc];
	[tilespmem:$0x15680] =	vst v3  }
0x2a: {  	[hbm4b:s10+s5] =	stream.linear.scatter [tilespmem:s11], [sflag:$0x9], $0x80, $0x38;
	[tilespmem:$0x1DB00] =	vst v63  }
0x2b: {  	s11 =	simm.s32 $0x9  }
0x2c: {  	_ =	swait.ge [sflag:s11], $0x80  }
0x2d: {  	s12 =	rddreg [dreg:$0xe]  }
0x2e: {  	s26 =	rddreg [dreg:$0xd];
	s12 =	sadd.s32 $0x1, s12  }
0x2f: {  	p0 =	sne.s32 s12, s26  }
.Ltmp1:
0x30: {  	_ = 	snop;
	(pc) =	sbr.rel @!p0 .LBB2_47-.Ltmp1, $3  }
0x31: {  	_ =	sdelay $0x1  }
0x32: {  	[sflag:s11] =	ssyncset.done $0x0  }
0x33: {  	[sflag:s11] =	ssyncadd.s32 $0xFFFFFF80  }
.LBB2_1:
0x34: {  	[tilespmem:$0x16700] =	vst v1  }
0x35: {  	[tilespmem:$0x1A900] =	vst v1  }
0x36: {  	[tilespmem:$0x17780] =	vst v1  }
0x37: {  	[tilespmem:$0x1B980] =	vst v1  }
0x38: {  	[tilespmem:$0x18800] =	vst v1  }
0x39: {  	[tilespmem:$0x1CA00] =	vst v1  }
0x3a: {  	[dreg:$0xe] =	wrdreg s12;
	[tilespmem:$0x19880] =	vst v1  }
0x3b: {  	[tilespmem:$0x1DA80] =	vst v1;
	s10 =	rddreg [dreg:$0x5]  }
0x3c: {  	[tilespmem:s20], [sflag:$0x1] =	stream.linear.gather [hbm4b:s10+s5], $0x1008, $0x38;
	[tilespmem:$0x1DB00] =	vst v63  }
0x3d: {  	s26 =	rddreg [dreg:$0x6]  }
0x3e: {  	[tilespmem:s21], [sflag:$0x5] =	stream.linear.gather [hbm4b:s26+s5], $0x1008, $0x38;
	[tilespmem:$0x1DB00] =	vst v63  }
0x3f: {  	s12 =	rddreg [dreg:$0x7]  }
0x40: {  	[tilespmem:s22], [sflag:$0x2] =	stream.linear.gather [hbm4b:s12+s5], $0x1008, $0x38;
	[tilespmem:$0x1DB00] =	vst v63  }
0x41: {  	s14 =	rddreg [dreg:$0x8]  }
0x42: {  	[tilespmem:s23], [sflag:$0x6] =	stream.linear.gather [hbm4b:s14+s5], $0x1008, $0x38;
	[tilespmem:$0x1DB00] =	vst v63  }
0x43: {  	s18 =	rddreg [dreg:$0x9]  }
0x44: {  	[tilespmem:s24], [sflag:$0x3] =	stream.linear.gather [hbm4b:s18+s5], $0x1008, $0x38;
	[tilespmem:$0x1DB00] =	vst v63  }
0x45: {  	s19 =	rddreg [dreg:$0xa]  }
0x46: {  	[tilespmem:s25], [sflag:$0x7] =	stream.linear.gather [hbm4b:s19+s5], $0x1008, $0x38;
	[tilespmem:$0x1DB00] =	vst v63  }
0x47: {  	s26 =	rddreg [dreg:$0x2]  }
0x48: {  	[tilespmem:s5], [sflag:$0x9] =	stream.linear.gather [hbm4b:s26+s5], $0xAB00, $0x38;
	[tilespmem:$0x1DB00] =	vst v63  }
0x49: {  	p0 =	por $0x1, $0x1;
	_ =	swait.ge [sflag:s11], $0xAB00  }
0x4a: {  	s12 =	simm.s32 $0xAB0;
	s18 =	simm.s32 $0xAB0;
	[sflag:s11] =	ssyncset.done $0x0  }
0x4b: {  	s19 =	simm.s32 $0xB;
	[sflag:s11] =	ssyncadd.s32 $0xFFFF5500;
	s11 =	simm.s32 $0x0  }
.LBB2_2:
0x4c: {  	s26 =	simm.s32 $0x1  }
0x4d: {  	p1 =	sne.s32 s19, $0x1;
	s10 =	sshra.s32 s18, $0x1F;
	s26 =	simm.s32 @!p0 $0x0  }
0x4e: {  	s10 =	sadd.s32 s26, s10;
	s26 =	sand.u32 $0x1, s18  }
0x4f: {  	p2 =	sne.s32 s10, $0x1;
	p3 =	seq.s32 s26, $0x1  }
0x50: {  	s10 =	sshrl.u32 s18, $0x1F;
	p2 =	por !p2, !p3  }
0x51: {  	s26 =	simm.s32 $0x1;
	s10 =	sadd.s32 s10, s18;
	p2 =	por !p2, !p2  }
0x52: {  	s10 =	sshra.s32 s10, $0x1;
	s26 =	simm.s32 @!p2 $0x0  }
0x53: {  	s10 =	ssub.s32 s10, s26  }
0x54: {  	s26 =	sadd.s32 s11, s10  }
0x55: {  	p2 =	slt.s32 s26, $0xAAF;
	s14 =	sadd.s32 $0x1, s26  }
0x56: {  	s26 =	simm.s32 @!p2 $0xAAF  }
0x57: {  	s26 =	sshll.u32 s26, $0x6  }
0x58: {  	s26 =	sshra.s32 s26, $0x2  }
0x59: {  	v3 =	vld [tilespmem:s26+$0x0];
	_ =	sdelay $0x4  }
0x5a: {  	v3 =	vxor.u32 $0x80000000, v3  }
0x5b: {  	(xrf0) =	vmin.scan.msk.u32 $0xffff, v3;
	_ =	sdelay $0x5  }
0x5c: {  	v3, _, _ =	vpop (xrf0)  }
0x5d: {  	(v2sf) =	vpush v3, $0xF;
	_ =	sdelay $0xe  }
0x5e: {  	s26 =	spop (v2sf)  }
0x5f: {  	s26 =	sxor.u32 $0x80000000, s26  }
0x60: {  	p2 =	slt.s32 s26, s6  }
0x61: {  	s26 =	sxor.u32 $0xFFFFFFFF, s10;
	p2 =	por !p0, !p2  }
.Ltmp2:
0x62: {  	s18 =	sadd.s32 s26, s18;
	p2 =	por !p2, !p2;
	(pc) =	sbr.rel @p1 .LBB2_2-.Ltmp2, $4  }
0x63: {  	s10 =	smov.u32 @p2 s18  }
0x64: {  	s11 =	smov.u32 @p2 s14;
	s18 =	smov.u32 s10  }
0x65: {  	s18 =	simm.s32 @!p0 $0x0  }
0x66: {  	s19 =	sadd.s32 $0xFFFFFFFF, s19;
	p0 =	sgt.s32 s18, $0x0  }
0x67: {  	s10 =	simm.s32 $0x1  }
0x68: {  	s14 =	sshra.s32 s18, $0x1F;
	s10 =	simm.s32 @!p0 $0x0  }
0x69: {  	s26 =	sand.u32 $0x1, s18;
	s10 =	sadd.s32 s10, s14  }
0x6a: {  	p2 =	seq.s32 s26, $0x1;
	p1 =	sne.s32 s10, $0x1  }
0x6b: {  	s19 =	sshrl.u32 s18, $0x1F;
	p1 =	por !p1, !p2  }
0x6c: {  	s14 =	simm.s32 $0x1;
	s10 =	sadd.s32 s19, s18;
	p1 =	por !p1, !p1  }
0x6d: {  	s10 =	sshra.s32 s10, $0x1;
	s14 =	simm.s32 @!p1 $0x0  }
0x6e: {  	s10 =	ssub.s32 s10, s14  }
0x6f: {  	s10 =	sadd.s32 s11, s10  }
0x70: {  	p1 =	slt.s32 s10, $0xAAF  }
0x71: {  	s14 =	sadd.s32 $0x1, s10;
	s10 =	simm.s32 @!p1 $0xAAF  }
0x72: {  	s10 =	sshll.u32 s10, $0x6  }
0x73: {  	s10 =	sshra.s32 s10, $0x2  }
0x74: {  	v3 =	vld [tilespmem:s10+$0x0];
	_ =	sdelay $0x4  }
0x75: {  	v3 =	vxor.u32 $0x80000000, v3  }
0x76: {  	(xrf0) =	vmin.scan.msk.u32 $0xffff, v3;
	_ =	sdelay $0x5  }
0x77: {  	v3, _, _ =	vpop (xrf0)  }
0x78: {  	(v2sf) =	vpush v3, $0xF;
	_ =	sdelay $0xe  }
0x79: {  	s26 =	spop (v2sf)  }
0x7a: {  	s10 =	sxor.u32 $0x80000000, s26  }
0x7b: {  	p5 =	slt.s32 s10, s6  }
0x7c: {  	p6 =	por !p0, !p5  }
0x7d: {  	s18 =	simm.s32 $0x0;
	p0 =	por !p6, !p6  }
0x7e: {  	s19 =	simm.s32 $0xB;
	s11 =	smov.u32 @p0 s14;
	p0 =	por $0x1, $0x1  }
.LBB2_4:
0x7f: {  	s10 =	simm.s32 $0x1  }
0x80: {  	p1 =	sne.s32 s19, $0x1;
	s14 =	sshra.s32 s12, $0x1F;
	s10 =	simm.s32 @!p0 $0x0  }
0x81: {  	s10 =	sadd.s32 s10, s14;
	s14 =	sand.u32 $0x1, s12  }
0x82: {  	p2 =	sne.s32 s10, $0x1;
	p3 =	seq.s32 s14, $0x1  }
0x83: {  	s10 =	sshrl.u32 s12, $0x1F;
	p2 =	por !p2, !p3  }
0x84: {  	s14 =	simm.s32 $0x1;
	s10 =	sadd.s32 s10, s12;
	p2 =	por !p2, !p2  }
0x85: {  	s10 =	sshra.s32 s10, $0x1;
	s14 =	simm.s32 @!p2 $0x0  }
0x86: {  	s10 =	ssub.s32 s10, s14  }
0x87: {  	s14 =	sadd.s32 s18, s10  }
0x88: {  	p2 =	slt.s32 s14, $0xAAF;
	s26 =	sadd.s32 $0x1, s14  }
0x89: {  	s14 =	simm.s32 @!p2 $0xAAF  }
0x8a: {  	s14 =	sshll.u32 s14, $0x6  }
0x8b: {  	s14 =	sshra.s32 s14, $0x2  }
0x8c: {  	v3 =	vld [tilespmem:s14+$0x0];
	_ =	sdelay $0x4  }
0x8d: {  	v3 =	vxor.u32 $0x80000000, v3  }
0x8e: {  	(xrf0) =	vmin.scan.msk.u32 $0xffff, v3;
	_ =	sdelay $0x5  }
0x8f: {  	v3, _, _ =	vpop (xrf0)  }
0x90: {  	(v2sf) =	vpush v3, $0xF;
	_ =	sdelay $0xe  }
0x91: {  	s14 =	spop (v2sf)  }
0x92: {  	s14 =	sxor.u32 $0x80000000, s14  }
0x93: {  	p2 =	slt.s32 s14, s13  }
0x94: {  	s14 =	sxor.u32 $0xFFFFFFFF, s10;
	p2 =	por !p0, !p2  }
.Ltmp3:
0x95: {  	s12 =	sadd.s32 s14, s12;
	p2 =	por !p2, !p2;
	(pc) =	sbr.rel @p1 .LBB2_4-.Ltmp3, $4  }
0x96: {  	s10 =	smov.u32 @p2 s12  }
0x97: {  	s18 =	smov.u32 @p2 s26;
	s12 =	smov.u32 s10  }
0x98: {  	s12 =	simm.s32 @!p0 $0x0  }
0x99: {  	s19 =	sadd.s32 $0xFFFFFFFF, s19;
	p0 =	sgt.s32 s12, $0x0  }
0x9a: {  	s10 =	simm.s32 $0x1  }
0x9b: {  	s14 =	sshra.s32 s12, $0x1F;
	s10 =	simm.s32 @!p0 $0x0  }
0x9c: {  	s26 =	sand.u32 $0x1, s12;
	s10 =	sadd.s32 s10, s14  }
0x9d: {  	p2 =	seq.s32 s26, $0x1;
	p1 =	sne.s32 s10, $0x1  }
0x9e: {  	s19 =	sshrl.u32 s12, $0x1F;
	p1 =	por !p1, !p2  }
0x9f: {  	s10 =	sadd.s32 s19, s12;
	s12 =	simm.s32 $0x1;
	p1 =	por !p1, !p1  }
0xa0: {  	s10 =	sshra.s32 s10, $0x1;
	s12 =	simm.s32 @!p1 $0x0  }
0xa1: {  	s10 =	ssub.s32 s10, s12  }
0xa2: {  	s10 =	sadd.s32 s18, s10  }
0xa3: {  	p1 =	slt.s32 s10, $0xAAF  }
0xa4: {  	s14 =	sadd.s32 $0x1, s10;
	s10 =	simm.s32 @!p1 $0xAAF  }
0xa5: {  	s10 =	sshll.u32 s10, $0x6  }
0xa6: {  	s10 =	sshra.s32 s10, $0x2  }
0xa7: {  	v3 =	vld [tilespmem:s10+$0x0];
	_ =	sdelay $0x4  }
0xa8: {  	v3 =	vxor.u32 $0x80000000, v3  }
0xa9: {  	(xrf0) =	vmin.scan.msk.u32 $0xffff, v3;
	_ =	sdelay $0x5  }
0xaa: {  	v3, _, _ =	vpop (xrf0)  }
0xab: {  	(v2sf) =	vpush v3, $0xF;
	_ =	sdelay $0xe  }
0xac: {  	s26 =	spop (v2sf)  }
0xad: {  	s10 =	sxor.u32 $0x80000000, s26  }
0xae: {  	p5 =	slt.s32 s10, s13  }
0xaf: {  	s12 =	sadd.s32 $0xFFFFFFFF, s11;
	p6 =	por !p0, !p5  }
0xb0: {  	p1 =	sgt.s32 s12, $0x0;
	p0 =	por !p6, !p6  }
0xb1: {  	s12 =	simm.s32 @!p1 $0x0;
	s18 =	smov.u32 @p0 s14  }
0xb2: {  	s11 =	ssub.s32 s18, s12  }
0xb3: {  	p0 =	slt.s32 s11, $0x1  }
.Ltmp4:
0xb4: {  	_ = 	snop;
	(pc) =	sbr.rel @p0 .LBB2_12-.Ltmp4, $1  }
0xb5: {  	_ =	sdelay $0x3  }
0xb6: {  	p1 =	sne.s32 s11, $0x1  }
.Ltmp5:
0xb7: {  	_ = 	snop;
	(pc) =	sbr.rel @!p1 .LBB2_7-.Ltmp5, $4  }
0xb8: {  	_ = 	snop  }
0xb9: {  	s10 =	sshll.u32 s12, $0x6  }
0xba: {  	s18 =	sshra.s32 s10, $0x2  }
0xbb: {  	s12 =	simm.s32 $0xAB00;
	s26 =	sadd.s32 $0xFFFFFFFF, s11;
	p0 =	por $0x0, $0x0;
	v3 =	vld [tilespmem:s18+$0x0]  }
0xbc: {  	_ =	sdelay $0x2  }
0xbd: {  	p1 =	sne.s32 s26, $0x1  }
.Ltmp6:
0xbe: {  	v3 =	vsub.s32 v3, v0;
	(pc) =	sbr.rel @!p1 .LBB2_9-.Ltmp6, $4  }
0xbf: {  	vm0 =	vlt.u32 v3, $0x1008  }
0xc0: {  	v3 =	vnsel vm0, $0x100F, v3  }
0xc1: {  	s19 =	sadd.s32 $0x10, s18;
	[tilespmem:s12+$0x0] =	vst v3  }
0xc2: {  	s26 =	sadd.s32 $0xFFFFFFFF, s26;
	p0 =	por $0x1, $0x1;
	s18 =	simm.s32 $0xAB00;
	v3 =	vld [tilespmem:s19+$0x0]  }
.LBB2_10:
0xc3: {  	p1 =	sne.s32 s26, $0x1;
	_ =	sdelay $0x3  }
.Ltmp7:
0xc4: {  	v3 =	vsub.s32 v3, v0;
	(pc) =	sbr.rel @p1 .LBB2_10-.Ltmp7, $4  }
0xc5: {  	vm0 =	vlt.u32 v3, $0x1008  }
0xc6: {  	s18 =	sadd.s32 $0x10, s18;
	v3 =	vnsel vm0, $0x100F, v3  }
0xc7: {  	s19 =	sadd.s32 $0x10, s19;
	[tilespmem:s18+$0x0] =	vst v3  }
0xc8: {  	s26 =	sadd.s32 $0xFFFFFFFF, s26;
	v3 =	vld [tilespmem:s19+$0x0]  }
.LBB2_11:
0xc9: {  	_ =	sdelay $0x3  }
0xca: {  	v3 =	vsub.s32 v3, v0  }
0xcb: {  	s10 =	sadd.s32 @p0 $0x10, s18;
	vm0 =	vlt.u32 v3, $0x1008  }
0xcc: {  	s12 =	smov.u32 @p0 s10;
	v3 =	vnsel vm0, $0x100F, v3  }
0xcd: {  	[tilespmem:s12+$0x0] =	vst v3  }
.LBB2_12:
0xce: {  	s10 =	sadd.s32 $0x3, s11  }
0xcf: {  	s18 =	sshll.u32 s11, $0x6;
	s11 =	simm.s32 $0x1;
	s12 =	sand.u32 $0x3, s10  }
0xd0: {  	s19 =	sshra.s32 s10, $0x1F;
	p1 =	slt.s32 s10, $0x1;
	p0 =	sne.s32 s12, $0x0  }
.Ltmp8:
0xd1: {  	s26 =	sshrl.u32 s19, $0x1E;
	p0 =	por !p1, !p0;
	(pc) =	sbr.rel .LBB2_13-.Ltmp8, $4  }
0xd2: {  	s14 =	sshra.s32 s18, $0x2;
	s10 =	sadd.s32 s26, s10;
	p0 =	por !p0, !p0  }
0xd3: {  	[tilespmem:s14+$0xAB00] =	vst v2;
	s10 =	sshra.s32 s10, $0x2;
	s11 =	simm.s32 @!p0 $0x0  }
0xd4: {  	[tilespmem:s14+$0xAB10] =	vst v2;
	s11 =	ssub.s32 s10, s11  }
0xd5: {  	v3 =	vimm.f32 $0.0e+00;
	[tilespmem:s14+$0xAB20] =	vst v2;
	s12 =	simm.s32 $0x0;
	p0 =	slt.s32 s11, $0x1  }
.LBB2_39:
0xd6: {  	v14 =	vmov v3  }
.LBB2_44:
0xd7: {  	_ =	sdelay $0x3  }
0xd8: {  	v5 =	vld.idx.msk @p1 [tilespmem:v4+s29+$0x0], $0xffff  }
0xd9: {  	v12 =	vld [tilespmem:s18+$0x0]  }
0xda: {  	v7 =	vsub.f32 @p1 v7, v10;
	v4 =	vld.idx.msk @p1 [tilespmem:v4+s30+$0x0], $0xffff  }
0xdb: {  	v58 =	vld [tilespmem:s18+$0x10]  }
0xdc: {  	v6 =	vsub.f32 @p1 v6, v9;
	v7 =	vand.u32 @p1 $0x7FFFFFFF, v7  }
0xdd: {  	v59 =	vld.idx.msk [tilespmem:v15+s29+$0x0], $0xffff;
	v7 =	vadd.f32 @p1 v7, v14  }
0xde: {  	v60 =	vld.idx.msk [tilespmem:v15+s30+$0x0], $0xffff;
	v6 =	vand.u32 @p1 $0x7FFFFFFF, v6;
	v8 =	vsub.f32 @p1 v8, v11  }
0xdf: {  	v61 =	vld.idx.msk [tilespmem:v13+s29+$0x0], $0xffff;
	v6 =	vadd.f32 @p1 v6, v7  }
0xe0: {  	v8 =	vand.u32 @p1 $0x7FFFFFFF, v8;
	v4 =	vsub.f32 @p1 v5, v4;
	v5 =	vld.idx.msk [tilespmem:v13+s30+$0x0], $0xffff  }
0xe1: {  	v6 =	vadd.f32 @p1 v8, v6;
	v62 =	vld.idx.msk [tilespmem:v12+s29+$0x0], $0xffff  }
0xe2: {  	v4 =	vand.u32 @p1 $0x7FFFFFFF, v4;
	v12 =	vld.idx.msk [tilespmem:v12+s30+$0x0], $0xffff  }
0xe3: {  	v9 =	vsub.f32 v59, v60;
	v63 =	vld.idx.msk [tilespmem:v58+s29+$0x0], $0xffff;
	v4 =	vadd.f32 @p1 v4, v6  }
0xe4: {  	v10 =	vld.idx.msk [tilespmem:v58+s30+$0x0], $0xffff  }
0xe5: {  	v5 =	vsub.f32 v61, v5;
	v3 =	vpsel p1, v4, v3;
	v4 =	vand.u32 $0x7FFFFFFF, v9  }
0xe6: {  	v3 =	vadd.f32 v4, v3  }
0xe7: {  	v4 =	vand.u32 $0x7FFFFFFF, v5;
	v5 =	vsub.f32 v62, v12  }
0xe8: {  	v3 =	vadd.f32 v4, v3  }
0xe9: {  	v4 =	vand.u32 $0x7FFFFFFF, v5;
	v5 =	vsub.f32 v63, v10  }
0xea: {  	v3 =	vadd.f32 v4, v3  }
0xeb: {  	v4 =	vand.u32 $0x7FFFFFFF, v5  }
0xec: {  	v3 =	vadd.f32 v4, v3  }
.LBB2_45:
0xed: {  	s12 =	sadd.s32 $0x1, s12  }
0xee: {  	p1 =	sne.s32 s12, $0x8  }
.Ltmp9:
0xef: {  	_ = 	snop;
	(pc) =	sbr.rel @!p1 .LBB2_46-.Ltmp9, $1  }
0xf0: {  	_ =	sdelay $0x3  }
.LBB2_13:
0xf1: {  	s10 =	smul.u32 $0x80400, s12  }
0xf2: {  	s14 =	rddreg [dreg:$0xb]  }
0xf3: {  	s10 =	sadd.s32 s10, s14  }
0xf4: {  	s10 =	sshrl.u32 s10, $0x3  }
0xf5: {  	s26 =	sadd.s32 s1, s10  }
0xf6: {  	[tilespmem:s29], [sflag:$0x4] =	stream.linear.gather [hbm4b:s26+s5], $0x1008, $0x38;
	[tilespmem:$0x1DB00] =	vst v63  }
0xf7: {  	s10 =	sadd.s32 s2, s10  }
0xf8: {  	[tilespmem:s30], [sflag:$0x8] =	stream.linear.gather [hbm4b:s10+s5], $0x1008, $0x38;
	[tilespmem:$0x1DB00] =	vst v63  }
0xf9: {  	_ =	swait.ge [sflag:s28], $0x1008  }
.Ltmp10:
0xfa: {  	[sflag:s28] =	ssyncset.done $0x0;
	(pc) =	sbr.rel @p0 .LBB2_21-.Ltmp10, $4  }
0xfb: {  	[sflag:s28] =	ssyncadd.s32 $0xFFFFEFF8  }
0xfc: {  	_ =	swait.ge [sflag:s31], $0x1008  }
0xfd: {  	[sflag:s31] =	ssyncset.done $0x0  }
0xfe: {  	s18 =	simm.s32 $0xAB20;
	[sflag:s31] =	ssyncadd.s32 $0xFFFFEFF8  }
0xff: {  	p2 =	sne.s32 s11, $0x1  }
.Ltmp11:
0x100: {  	_ = 	snop;
	(pc) =	sbr.rel @!p2 .LBB2_15-.Ltmp11, $3  }
0x101: {  	_ =	sdelay $0x1  }
0x102: {  	v13 =	vld [tilespmem:s18+$0xFFFFFFF0]  }
0x103: {  	v15 =	vld [tilespmem:s18+$0xFFFFFFE0];
	s19 =	sadd.s32 $0xFFFFFFFF, s11;
	p1 =	por $0x0, $0x0  }
0x104: {  	_ =	sdelay $0x2  }
0x105: {  	v11 =	vld [tilespmem:s18+$0x0]  }
0x106: {  	v4 =	vld [tilespmem:s18+$0x10];
	s18 =	simm.s32 $0xAB60  }
0x107: {  	v5 =	vld [tilespmem:s18+$0xFFFFFFF0]  }
0x108: {  	v12 =	vld [tilespmem:s18+$0xFFFFFFE0]  }
0x109: {  	p2 =	sne.s32 s19, $0x1;
	v6 =	vld.idx.msk [tilespmem:v13+s20+$0x0], $0xffff  }
.Ltmp12:
0x10a: {  	v7 =	vld.idx.msk [tilespmem:v15+s20+$0x0], $0xffff;
	(pc) =	sbr.rel @!p2 .LBB2_17-.Ltmp12, $4  }
0x10b: {  	v10 =	vld.idx.msk [tilespmem:v15+s21+$0x0], $0xffff  }
0x10c: {  	v9 =	vld.idx.msk [tilespmem:v13+s21+$0x0], $0xffff  }
0x10d: {  	v8 =	vld.idx.msk [tilespmem:v11+s20+$0x0], $0xffff  }
0x10e: {  	s19 =	sadd.s32 $0xFFFFFFFF, s19;
	p1 =	por $0x1, $0x1;
	v14 =	vmov v3;
	v11 =	vld.idx.msk [tilespmem:v11+s21+$0x0], $0xffff  }
.LBB2_18:
0x10f: {  	p2 =	sne.s32 s19, $0x1;
	v13 =	vld.idx.msk [tilespmem:v4+s20+$0x0], $0xffff  }
0x110: {  	v7 =	vsub.f32 v7, v10;
	v15 =	vld.idx.msk [tilespmem:v4+s21+$0x0], $0xffff  }
0x111: {  	v16 =	vld [tilespmem:s18+$0x0]  }
0x112: {  	v7 =	vand.u32 $0x7FFFFFFF, v7;
	v6 =	vsub.f32 v6, v9;
	v4 =	vld [tilespmem:s18+$0x10];
	s18 =	sadd.s32 $0x40, s18  }
0x113: {  	v9 =	vadd.f32 v7, v14;
	v17 =	vld [tilespmem:s18+$0xFFFFFFF0]  }
0x114: {  	v6 =	vand.u32 $0x7FFFFFFF, v6;
	v8 =	vsub.f32 v8, v11;
	v18 =	vld [tilespmem:s18+$0xFFFFFFE0]  }
0x115: {  	v9 =	vadd.f32 v6, v9;
	v7 =	vld.idx.msk [tilespmem:v12+s20+$0x0], $0xffff  }
.Ltmp13:
0x116: {  	v8 =	vand.u32 $0x7FFFFFFF, v8;
	v11 =	vsub.f32 v13, v15;
	v10 =	vld.idx.msk [tilespmem:v12+s21+$0x0], $0xffff;
	(pc) =	sbr.rel @p2 .LBB2_18-.Ltmp13, $4  }
0x117: {  	v13 =	vadd.f32 v8, v9;
	v6 =	vld.idx.msk [tilespmem:v5+s20+$0x0], $0xffff  }
0x118: {  	v11 =	vand.u32 $0x7FFFFFFF, v11;
	v9 =	vld.idx.msk [tilespmem:v5+s21+$0x0], $0xffff;
	v5 =	vmov v17  }
0x119: {  	v14 =	vadd.f32 v11, v13;
	v8 =	vld.idx.msk [tilespmem:v16+s20+$0x0], $0xffff;
	v12 =	vmov v18  }
0x11a: {  	s19 =	sadd.s32 $0xFFFFFFFF, s19;
	v11 =	vld.idx.msk [tilespmem:v16+s21+$0x0], $0xffff  }
0x11b: {  	v15 =	vmov v12;
	v13 =	vmov v5  }
.LBB2_20:
0x11c: {  	_ =	sdelay $0x3  }
0x11d: {  	v5 =	vld.idx.msk @p1 [tilespmem:v4+s20+$0x0], $0xffff  }
0x11e: {  	v12 =	vld [tilespmem:s18+$0x0]  }
0x11f: {  	v7 =	vsub.f32 @p1 v7, v10;
	v4 =	vld.idx.msk @p1 [tilespmem:v4+s21+$0x0], $0xffff  }
0x120: {  	v58 =	vld [tilespmem:s18+$0x10]  }
0x121: {  	v6 =	vsub.f32 @p1 v6, v9;
	v7 =	vand.u32 @p1 $0x7FFFFFFF, v7  }
0x122: {  	v59 =	vld.idx.msk [tilespmem:v15+s20+$0x0], $0xffff;
	v7 =	vadd.f32 @p1 v7, v14  }
0x123: {  	v60 =	vld.idx.msk [tilespmem:v15+s21+$0x0], $0xffff;
	v6 =	vand.u32 @p1 $0x7FFFFFFF, v6;
	v8 =	vsub.f32 @p1 v8, v11  }
0x124: {  	v61 =	vld.idx.msk [tilespmem:v13+s20+$0x0], $0xffff;
	v6 =	vadd.f32 @p1 v6, v7  }
0x125: {  	v8 =	vand.u32 @p1 $0x7FFFFFFF, v8;
	v4 =	vsub.f32 @p1 v5, v4;
	v5 =	vld.idx.msk [tilespmem:v13+s21+$0x0], $0xffff  }
0x126: {  	v6 =	vadd.f32 @p1 v8, v6;
	v62 =	vld.idx.msk [tilespmem:v12+s20+$0x0], $0xffff  }
0x127: {  	v4 =	vand.u32 @p1 $0x7FFFFFFF, v4;
	v12 =	vld.idx.msk [tilespmem:v12+s21+$0x0], $0xffff  }
0x128: {  	v9 =	vsub.f32 v59, v60;
	v63 =	vld.idx.msk [tilespmem:v58+s20+$0x0], $0xffff;
	v4 =	vadd.f32 @p1 v4, v6  }
0x129: {  	v10 =	vld.idx.msk [tilespmem:v58+s21+$0x0], $0xffff  }
0x12a: {  	v5 =	vsub.f32 v61, v5;
	v3 =	vpsel p1, v4, v3;
	v4 =	vand.u32 $0x7FFFFFFF, v9  }
0x12b: {  	v3 =	vadd.f32 v4, v3  }
0x12c: {  	v4 =	vand.u32 $0x7FFFFFFF, v5;
	v5 =	vsub.f32 v62, v12  }
0x12d: {  	v3 =	vadd.f32 v4, v3  }
0x12e: {  	v4 =	vand.u32 $0x7FFFFFFF, v5;
	v5 =	vsub.f32 v63, v10  }
0x12f: {  	v3 =	vadd.f32 v4, v3  }
0x130: {  	v4 =	vand.u32 $0x7FFFFFFF, v5  }
0x131: {  	v3 =	vadd.f32 v4, v3  }
.LBB2_21:
0x132: {  	s18 =	sshll.u32 s12, $0x2  }
0x133: {  	s10 =	smin.u32 s18, $0x1B  }
0x134: {  	s10 =	smul.u32 $0x20100, s10;
	_ =	sdelay $0x1  }
0x135: {  	s10 =	sadd.s32 s10, s15  }
0x136: {  	s10 =	sshrl.u32 s10, $0x3  }
0x137: {  	s14 =	sadd.s32 s1, s10  }
0x138: {  	[tilespmem:s20], [sflag:$0x1] =	stream.linear.gather [hbm4b:s14+s5], $0x1008, $0x38;
	[tilespmem:$0x1DB00] =	vst v63  }
0x139: {  	s10 =	sadd.s32 s2, s10  }
0x13a: {  	[tilespmem:s21], [sflag:$0x5] =	stream.linear.gather [hbm4b:s10+s5], $0x1008, $0x38;
	[tilespmem:$0x1DB00] =	vst v63  }
0x13b: {  	_ =	swait.ge [sflag:s3], $0x1008  }
.Ltmp14:
0x13c: {  	[sflag:s3] =	ssyncset.done $0x0;
	(pc) =	sbr.rel @p0 .LBB2_29-.Ltmp14, $4  }
0x13d: {  	[sflag:s3] =	ssyncadd.s32 $0xFFFFEFF8  }
0x13e: {  	_ =	swait.ge [sflag:s0], $0x1008  }
0x13f: {  	[sflag:s0] =	ssyncset.done $0x0  }
0x140: {  	s19 =	simm.s32 $0xAB20;
	[sflag:s0] =	ssyncadd.s32 $0xFFFFEFF8  }
0x141: {  	p2 =	sne.s32 s11, $0x1  }
.Ltmp15:
0x142: {  	_ = 	snop;
	(pc) =	sbr.rel @!p2 .LBB2_23-.Ltmp15, $3  }
0x143: {  	_ =	sdelay $0x1  }
0x144: {  	v13 =	vld [tilespmem:s19+$0xFFFFFFF0]  }
0x145: {  	v15 =	vld [tilespmem:s19+$0xFFFFFFE0];
	s26 =	sadd.s32 $0xFFFFFFFF, s11;
	p1 =	por $0x0, $0x0  }
0x146: {  	_ =	sdelay $0x2  }
0x147: {  	v11 =	vld [tilespmem:s19+$0x0]  }
0x148: {  	v4 =	vld [tilespmem:s19+$0x10];
	s19 =	simm.s32 $0xAB60  }
0x149: {  	v5 =	vld [tilespmem:s19+$0xFFFFFFF0]  }
0x14a: {  	v12 =	vld [tilespmem:s19+$0xFFFFFFE0]  }
0x14b: {  	p2 =	sne.s32 s26, $0x1;
	v6 =	vld.idx.msk [tilespmem:v13+s22+$0x0], $0xffff  }
.Ltmp16:
0x14c: {  	v7 =	vld.idx.msk [tilespmem:v15+s22+$0x0], $0xffff;
	(pc) =	sbr.rel @!p2 .LBB2_25-.Ltmp16, $4  }
0x14d: {  	v10 =	vld.idx.msk [tilespmem:v15+s23+$0x0], $0xffff  }
0x14e: {  	v9 =	vld.idx.msk [tilespmem:v13+s23+$0x0], $0xffff  }
0x14f: {  	v8 =	vld.idx.msk [tilespmem:v11+s22+$0x0], $0xffff  }
0x150: {  	s26 =	sadd.s32 $0xFFFFFFFF, s26;
	p1 =	por $0x1, $0x1;
	v14 =	vmov v3;
	v11 =	vld.idx.msk [tilespmem:v11+s23+$0x0], $0xffff  }
.LBB2_26:
0x151: {  	p2 =	sne.s32 s26, $0x1;
	v13 =	vld.idx.msk [tilespmem:v4+s22+$0x0], $0xffff  }
0x152: {  	v7 =	vsub.f32 v7, v10;
	v15 =	vld.idx.msk [tilespmem:v4+s23+$0x0], $0xffff  }
0x153: {  	v16 =	vld [tilespmem:s19+$0x0]  }
0x154: {  	v7 =	vand.u32 $0x7FFFFFFF, v7;
	v6 =	vsub.f32 v6, v9;
	v4 =	vld [tilespmem:s19+$0x10];
	s19 =	sadd.s32 $0x40, s19  }
0x155: {  	v9 =	vadd.f32 v7, v14;
	v17 =	vld [tilespmem:s19+$0xFFFFFFF0]  }
0x156: {  	v6 =	vand.u32 $0x7FFFFFFF, v6;
	v8 =	vsub.f32 v8, v11;
	v18 =	vld [tilespmem:s19+$0xFFFFFFE0]  }
0x157: {  	v9 =	vadd.f32 v6, v9;
	v7 =	vld.idx.msk [tilespmem:v12+s22+$0x0], $0xffff  }
.Ltmp17:
0x158: {  	v8 =	vand.u32 $0x7FFFFFFF, v8;
	v11 =	vsub.f32 v13, v15;
	v10 =	vld.idx.msk [tilespmem:v12+s23+$0x0], $0xffff;
	(pc) =	sbr.rel @p2 .LBB2_26-.Ltmp17, $4  }
0x159: {  	v13 =	vadd.f32 v8, v9;
	v6 =	vld.idx.msk [tilespmem:v5+s22+$0x0], $0xffff  }
0x15a: {  	v11 =	vand.u32 $0x7FFFFFFF, v11;
	v9 =	vld.idx.msk [tilespmem:v5+s23+$0x0], $0xffff;
	v5 =	vmov v17  }
0x15b: {  	v14 =	vadd.f32 v11, v13;
	v8 =	vld.idx.msk [tilespmem:v16+s22+$0x0], $0xffff;
	v12 =	vmov v18  }
0x15c: {  	s26 =	sadd.s32 $0xFFFFFFFF, s26;
	v11 =	vld.idx.msk [tilespmem:v16+s23+$0x0], $0xffff  }
0x15d: {  	v15 =	vmov v12;
	v13 =	vmov v5  }
.LBB2_28:
0x15e: {  	_ =	sdelay $0x3  }
0x15f: {  	v5 =	vld.idx.msk @p1 [tilespmem:v4+s22+$0x0], $0xffff  }
0x160: {  	v12 =	vld [tilespmem:s19+$0x0]  }
0x161: {  	v7 =	vsub.f32 @p1 v7, v10;
	v4 =	vld.idx.msk @p1 [tilespmem:v4+s23+$0x0], $0xffff  }
0x162: {  	v58 =	vld [tilespmem:s19+$0x10]  }
0x163: {  	v6 =	vsub.f32 @p1 v6, v9;
	v7 =	vand.u32 @p1 $0x7FFFFFFF, v7  }
0x164: {  	v59 =	vld.idx.msk [tilespmem:v15+s22+$0x0], $0xffff;
	v7 =	vadd.f32 @p1 v7, v14  }
0x165: {  	v60 =	vld.idx.msk [tilespmem:v15+s23+$0x0], $0xffff;
	v6 =	vand.u32 @p1 $0x7FFFFFFF, v6;
	v8 =	vsub.f32 @p1 v8, v11  }
0x166: {  	v61 =	vld.idx.msk [tilespmem:v13+s22+$0x0], $0xffff;
	v6 =	vadd.f32 @p1 v6, v7  }
0x167: {  	v8 =	vand.u32 @p1 $0x7FFFFFFF, v8;
	v4 =	vsub.f32 @p1 v5, v4;
	v5 =	vld.idx.msk [tilespmem:v13+s23+$0x0], $0xffff  }
0x168: {  	v6 =	vadd.f32 @p1 v8, v6;
	v62 =	vld.idx.msk [tilespmem:v12+s22+$0x0], $0xffff  }
0x169: {  	v4 =	vand.u32 @p1 $0x7FFFFFFF, v4;
	v12 =	vld.idx.msk [tilespmem:v12+s23+$0x0], $0xffff  }
0x16a: {  	v9 =	vsub.f32 v59, v60;
	v63 =	vld.idx.msk [tilespmem:v58+s22+$0x0], $0xffff;
	v4 =	vadd.f32 @p1 v4, v6  }
0x16b: {  	v10 =	vld.idx.msk [tilespmem:v58+s23+$0x0], $0xffff  }
0x16c: {  	v5 =	vsub.f32 v61, v5;
	v3 =	vpsel p1, v4, v3;
	v4 =	vand.u32 $0x7FFFFFFF, v9  }
0x16d: {  	v3 =	vadd.f32 v4, v3  }
0x16e: {  	v4 =	vand.u32 $0x7FFFFFFF, v5;
	v5 =	vsub.f32 v62, v12  }
0x16f: {  	v3 =	vadd.f32 v4, v3  }
0x170: {  	v4 =	vand.u32 $0x7FFFFFFF, v5;
	v5 =	vsub.f32 v63, v10  }
0x171: {  	v3 =	vadd.f32 v4, v3  }
0x172: {  	v4 =	vand.u32 $0x7FFFFFFF, v5  }
0x173: {  	v3 =	vadd.f32 v4, v3  }
.LBB2_29:
0x174: {  	s10 =	smin.u32 s18, $0x1A  }
0x175: {  	s10 =	smul.u32 $0x20100, s10;
	_ =	sdelay $0x1  }
0x176: {  	s10 =	sadd.s32 s10, s16  }
0x177: {  	s10 =	sshrl.u32 s10, $0x3  }
0x178: {  	s14 =	sadd.s32 s1, s10  }
0x179: {  	[tilespmem:s22], [sflag:$0x2] =	stream.linear.gather [hbm4b:s14+s5], $0x1008, $0x38;
	[tilespmem:$0x1DB00] =	vst v63  }
0x17a: {  	s10 =	sadd.s32 s2, s10  }
0x17b: {  	[tilespmem:s23], [sflag:$0x6] =	stream.linear.gather [hbm4b:s10+s5], $0x1008, $0x38;
	[tilespmem:$0x1DB00] =	vst v63  }
0x17c: {  	_ =	swait.ge [sflag:s4], $0x1008  }
.Ltmp18:
0x17d: {  	[sflag:s4] =	ssyncset.done $0x0;
	(pc) =	sbr.rel @p0 .LBB2_37-.Ltmp18, $4  }
0x17e: {  	[sflag:s4] =	ssyncadd.s32 $0xFFFFEFF8  }
0x17f: {  	_ =	swait.ge [sflag:s7], $0x1008  }
0x180: {  	[sflag:s7] =	ssyncset.done $0x0  }
0x181: {  	s19 =	simm.s32 $0xAB20;
	[sflag:s7] =	ssyncadd.s32 $0xFFFFEFF8  }
0x182: {  	p2 =	sne.s32 s11, $0x1  }
.Ltmp19:
0x183: {  	_ = 	snop;
	(pc) =	sbr.rel @!p2 .LBB2_31-.Ltmp19, $3  }
0x184: {  	_ =	sdelay $0x1  }
0x185: {  	v13 =	vld [tilespmem:s19+$0xFFFFFFF0]  }
0x186: {  	v15 =	vld [tilespmem:s19+$0xFFFFFFE0];
	s26 =	sadd.s32 $0xFFFFFFFF, s11;
	p1 =	por $0x0, $0x0  }
0x187: {  	_ =	sdelay $0x2  }
0x188: {  	v11 =	vld [tilespmem:s19+$0x0]  }
0x189: {  	v4 =	vld [tilespmem:s19+$0x10];
	s19 =	simm.s32 $0xAB60  }
0x18a: {  	v5 =	vld [tilespmem:s19+$0xFFFFFFF0]  }
0x18b: {  	v12 =	vld [tilespmem:s19+$0xFFFFFFE0]  }
0x18c: {  	p2 =	sne.s32 s26, $0x1;
	v6 =	vld.idx.msk [tilespmem:v13+s24+$0x0], $0xffff  }
.Ltmp20:
0x18d: {  	v7 =	vld.idx.msk [tilespmem:v15+s24+$0x0], $0xffff;
	(pc) =	sbr.rel @!p2 .LBB2_33-.Ltmp20, $4  }
0x18e: {  	v10 =	vld.idx.msk [tilespmem:v15+s25+$0x0], $0xffff  }
0x18f: {  	v9 =	vld.idx.msk [tilespmem:v13+s25+$0x0], $0xffff  }
0x190: {  	v8 =	vld.idx.msk [tilespmem:v11+s24+$0x0], $0xffff  }
0x191: {  	s26 =	sadd.s32 $0xFFFFFFFF, s26;
	p1 =	por $0x1, $0x1;
	v14 =	vmov v3;
	v11 =	vld.idx.msk [tilespmem:v11+s25+$0x0], $0xffff  }
.LBB2_34:
0x192: {  	p2 =	sne.s32 s26, $0x1;
	v13 =	vld.idx.msk [tilespmem:v4+s24+$0x0], $0xffff  }
0x193: {  	v7 =	vsub.f32 v7, v10;
	v15 =	vld.idx.msk [tilespmem:v4+s25+$0x0], $0xffff  }
0x194: {  	v16 =	vld [tilespmem:s19+$0x0]  }
0x195: {  	v7 =	vand.u32 $0x7FFFFFFF, v7;
	v6 =	vsub.f32 v6, v9;
	v4 =	vld [tilespmem:s19+$0x10];
	s19 =	sadd.s32 $0x40, s19  }
0x196: {  	v9 =	vadd.f32 v7, v14;
	v17 =	vld [tilespmem:s19+$0xFFFFFFF0]  }
0x197: {  	v6 =	vand.u32 $0x7FFFFFFF, v6;
	v8 =	vsub.f32 v8, v11;
	v18 =	vld [tilespmem:s19+$0xFFFFFFE0]  }
0x198: {  	v9 =	vadd.f32 v6, v9;
	v7 =	vld.idx.msk [tilespmem:v12+s24+$0x0], $0xffff  }
.Ltmp21:
0x199: {  	v8 =	vand.u32 $0x7FFFFFFF, v8;
	v11 =	vsub.f32 v13, v15;
	v10 =	vld.idx.msk [tilespmem:v12+s25+$0x0], $0xffff;
	(pc) =	sbr.rel @p2 .LBB2_34-.Ltmp21, $4  }
0x19a: {  	v13 =	vadd.f32 v8, v9;
	v6 =	vld.idx.msk [tilespmem:v5+s24+$0x0], $0xffff  }
0x19b: {  	v11 =	vand.u32 $0x7FFFFFFF, v11;
	v9 =	vld.idx.msk [tilespmem:v5+s25+$0x0], $0xffff;
	v5 =	vmov v17  }
0x19c: {  	v14 =	vadd.f32 v11, v13;
	v8 =	vld.idx.msk [tilespmem:v16+s24+$0x0], $0xffff;
	v12 =	vmov v18  }
0x19d: {  	s26 =	sadd.s32 $0xFFFFFFFF, s26;
	v11 =	vld.idx.msk [tilespmem:v16+s25+$0x0], $0xffff  }
0x19e: {  	v15 =	vmov v12;
	v13 =	vmov v5  }
.LBB2_36:
0x19f: {  	_ =	sdelay $0x3  }
0x1a0: {  	v5 =	vld.idx.msk @p1 [tilespmem:v4+s24+$0x0], $0xffff  }
0x1a1: {  	v12 =	vld [tilespmem:s19+$0x0]  }
0x1a2: {  	v7 =	vsub.f32 @p1 v7, v10;
	v4 =	vld.idx.msk @p1 [tilespmem:v4+s25+$0x0], $0xffff  }
0x1a3: {  	v58 =	vld [tilespmem:s19+$0x10]  }
0x1a4: {  	v6 =	vsub.f32 @p1 v6, v9;
	v7 =	vand.u32 @p1 $0x7FFFFFFF, v7  }
0x1a5: {  	v59 =	vld.idx.msk [tilespmem:v15+s24+$0x0], $0xffff;
	v7 =	vadd.f32 @p1 v7, v14  }
0x1a6: {  	v60 =	vld.idx.msk [tilespmem:v15+s25+$0x0], $0xffff;
	v6 =	vand.u32 @p1 $0x7FFFFFFF, v6;
	v8 =	vsub.f32 @p1 v8, v11  }
0x1a7: {  	v61 =	vld.idx.msk [tilespmem:v13+s24+$0x0], $0xffff;
	v6 =	vadd.f32 @p1 v6, v7  }
0x1a8: {  	v8 =	vand.u32 @p1 $0x7FFFFFFF, v8;
	v4 =	vsub.f32 @p1 v5, v4;
	v5 =	vld.idx.msk [tilespmem:v13+s25+$0x0], $0xffff  }
0x1a9: {  	v6 =	vadd.f32 @p1 v8, v6;
	v62 =	vld.idx.msk [tilespmem:v12+s24+$0x0], $0xffff  }
0x1aa: {  	v4 =	vand.u32 @p1 $0x7FFFFFFF, v4;
	v12 =	vld.idx.msk [tilespmem:v12+s25+$0x0], $0xffff  }
0x1ab: {  	v9 =	vsub.f32 v59, v60;
	v63 =	vld.idx.msk [tilespmem:v58+s24+$0x0], $0xffff;
	v4 =	vadd.f32 @p1 v4, v6  }
0x1ac: {  	v10 =	vld.idx.msk [tilespmem:v58+s25+$0x0], $0xffff  }
0x1ad: {  	v5 =	vsub.f32 v61, v5;
	v3 =	vpsel p1, v4, v3;
	v4 =	vand.u32 $0x7FFFFFFF, v9  }
0x1ae: {  	v3 =	vadd.f32 v4, v3  }
0x1af: {  	v4 =	vand.u32 $0x7FFFFFFF, v5;
	v5 =	vsub.f32 v62, v12  }
0x1b0: {  	v3 =	vadd.f32 v4, v3  }
0x1b1: {  	v4 =	vand.u32 $0x7FFFFFFF, v5;
	v5 =	vsub.f32 v63, v10  }
0x1b2: {  	v3 =	vadd.f32 v4, v3  }
0x1b3: {  	v4 =	vand.u32 $0x7FFFFFFF, v5  }
0x1b4: {  	v3 =	vadd.f32 v4, v3  }
.LBB2_37:
0x1b5: {  	s10 =	smin.u32 s18, $0x19  }
0x1b6: {  	s10 =	smul.u32 $0x20100, s10;
	_ =	sdelay $0x1  }
0x1b7: {  	s10 =	sadd.s32 s10, s17  }
0x1b8: {  	s10 =	sshrl.u32 s10, $0x3  }
0x1b9: {  	s14 =	sadd.s32 s1, s10  }
0x1ba: {  	[tilespmem:s24], [sflag:$0x3] =	stream.linear.gather [hbm4b:s14+s5], $0x1008, $0x38;
	[tilespmem:$0x1DB00] =	vst v63  }
0x1bb: {  	s10 =	sadd.s32 s2, s10  }
0x1bc: {  	[tilespmem:s25], [sflag:$0x7] =	stream.linear.gather [hbm4b:s10+s5], $0x1008, $0x38;
	[tilespmem:$0x1DB00] =	vst v63  }
0x1bd: {  	_ =	swait.ge [sflag:s8], $0x1008  }
.Ltmp22:
0x1be: {  	[sflag:s8] =	ssyncset.done $0x0;
	(pc) =	sbr.rel @p0 .LBB2_45-.Ltmp22, $4  }
0x1bf: {  	[sflag:s8] =	ssyncadd.s32 $0xFFFFEFF8  }
0x1c0: {  	_ =	swait.ge [sflag:s9], $0x1008  }
0x1c1: {  	[sflag:s9] =	ssyncset.done $0x0  }
0x1c2: {  	s18 =	simm.s32 $0xAB20;
	[sflag:s9] =	ssyncadd.s32 $0xFFFFEFF8  }
0x1c3: {  	p2 =	sne.s32 s11, $0x1  }
.Ltmp23:
0x1c4: {  	_ = 	snop;
	(pc) =	sbr.rel @!p2 .LBB2_39-.Ltmp23, $3  }
0x1c5: {  	_ =	sdelay $0x1  }
0x1c6: {  	v13 =	vld [tilespmem:s18+$0xFFFFFFF0]  }
0x1c7: {  	v15 =	vld [tilespmem:s18+$0xFFFFFFE0];
	s19 =	sadd.s32 $0xFFFFFFFF, s11;
	p1 =	por $0x0, $0x0  }
0x1c8: {  	_ =	sdelay $0x2  }
0x1c9: {  	v11 =	vld [tilespmem:s18+$0x0]  }
0x1ca: {  	v4 =	vld [tilespmem:s18+$0x10];
	s18 =	simm.s32 $0xAB60  }
0x1cb: {  	v5 =	vld [tilespmem:s18+$0xFFFFFFF0]  }
0x1cc: {  	v12 =	vld [tilespmem:s18+$0xFFFFFFE0]  }
0x1cd: {  	p2 =	sne.s32 s19, $0x1;
	v6 =	vld.idx.msk [tilespmem:v13+s29+$0x0], $0xffff  }
.Ltmp24:
0x1ce: {  	v7 =	vld.idx.msk [tilespmem:v15+s29+$0x0], $0xffff;
	(pc) =	sbr.rel @!p2 .LBB2_41-.Ltmp24, $4  }
0x1cf: {  	v10 =	vld.idx.msk [tilespmem:v15+s30+$0x0], $0xffff  }
0x1d0: {  	v9 =	vld.idx.msk [tilespmem:v13+s30+$0x0], $0xffff  }
0x1d1: {  	v8 =	vld.idx.msk [tilespmem:v11+s29+$0x0], $0xffff  }
0x1d2: {  	s19 =	sadd.s32 $0xFFFFFFFF, s19;
	p1 =	por $0x1, $0x1;
	v14 =	vmov v3;
	v11 =	vld.idx.msk [tilespmem:v11+s30+$0x0], $0xffff  }
.LBB2_42:
0x1d3: {  	p2 =	sne.s32 s19, $0x1;
	v13 =	vld.idx.msk [tilespmem:v4+s29+$0x0], $0xffff  }
0x1d4: {  	v7 =	vsub.f32 v7, v10;
	v15 =	vld.idx.msk [tilespmem:v4+s30+$0x0], $0xffff  }
0x1d5: {  	v16 =	vld [tilespmem:s18+$0x0]  }
0x1d6: {  	v7 =	vand.u32 $0x7FFFFFFF, v7;
	v6 =	vsub.f32 v6, v9;
	v4 =	vld [tilespmem:s18+$0x10];
	s18 =	sadd.s32 $0x40, s18  }
0x1d7: {  	v9 =	vadd.f32 v7, v14;
	v17 =	vld [tilespmem:s18+$0xFFFFFFF0]  }
0x1d8: {  	v6 =	vand.u32 $0x7FFFFFFF, v6;
	v8 =	vsub.f32 v8, v11;
	v18 =	vld [tilespmem:s18+$0xFFFFFFE0]  }
0x1d9: {  	v9 =	vadd.f32 v6, v9;
	v7 =	vld.idx.msk [tilespmem:v12+s29+$0x0], $0xffff  }
.Ltmp25:
0x1da: {  	v8 =	vand.u32 $0x7FFFFFFF, v8;
	v11 =	vsub.f32 v13, v15;
	v10 =	vld.idx.msk [tilespmem:v12+s30+$0x0], $0xffff;
	(pc) =	sbr.rel @p2 .LBB2_42-.Ltmp25, $4  }
0x1db: {  	v13 =	vadd.f32 v8, v9;
	v6 =	vld.idx.msk [tilespmem:v5+s29+$0x0], $0xffff  }
0x1dc: {  	v11 =	vand.u32 $0x7FFFFFFF, v11;
	v9 =	vld.idx.msk [tilespmem:v5+s30+$0x0], $0xffff;
	v5 =	vmov v17  }
0x1dd: {  	v14 =	vadd.f32 v11, v13;
	v8 =	vld.idx.msk [tilespmem:v16+s29+$0x0], $0xffff;
	v12 =	vmov v18  }
0x1de: {  	s19 =	sadd.s32 $0xFFFFFFFF, s19;
	v11 =	vld.idx.msk [tilespmem:v16+s30+$0x0], $0xffff  }
.Ltmp26:
0x1df: {  	(pc) =	sbr.rel .LBB2_44-.Ltmp26, $2  }
0x1e0: {  	_ =	sdelay $0x2  }
0x1e1: {  	v15 =	vmov v12;
	v13 =	vmov v5  }
.LBB2_15:
.Ltmp27:
0x1e2: {  	(pc) =	sbr.rel .LBB2_20-.Ltmp27, $2  }
0x1e3: {  	_ =	sdelay $0x2  }
0x1e4: {  	v14 =	vmov v3  }
.LBB2_23:
.Ltmp28:
0x1e5: {  	(pc) =	sbr.rel .LBB2_28-.Ltmp28, $2  }
0x1e6: {  	_ =	sdelay $0x2  }
0x1e7: {  	v14 =	vmov v3  }
.LBB2_31:
.Ltmp29:
0x1e8: {  	(pc) =	sbr.rel .LBB2_36-.Ltmp29, $2  }
0x1e9: {  	_ =	sdelay $0x2  }
0x1ea: {  	v14 =	vmov v3  }
.LBB2_17:
.Ltmp30:
0x1eb: {  	(pc) =	sbr.rel .LBB2_20-.Ltmp30, $2  }
0x1ec: {  	_ =	sdelay $0x2  }
0x1ed: {  	v14 =	vmov v3;
	v15 =	vmov v12;
	v13 =	vmov v5  }
.LBB2_25:
.Ltmp31:
0x1ee: {  	(pc) =	sbr.rel .LBB2_28-.Ltmp31, $2  }
0x1ef: {  	_ =	sdelay $0x2  }
0x1f0: {  	v14 =	vmov v3;
	v15 =	vmov v12;
	v13 =	vmov v5  }
.LBB2_33:
.Ltmp32:
0x1f1: {  	(pc) =	sbr.rel .LBB2_36-.Ltmp32, $2  }
0x1f2: {  	_ =	sdelay $0x2  }
0x1f3: {  	v14 =	vmov v3;
	v15 =	vmov v12;
	v13 =	vmov v5  }
.LBB2_41:
.Ltmp33:
0x1f4: {  	(pc) =	sbr.rel .LBB2_44-.Ltmp33, $2  }
0x1f5: {  	_ =	sdelay $0x2  }
0x1f6: {  	v14 =	vmov v3;
	v15 =	vmov v12;
	v13 =	vmov v5  }
.LBB2_7:
.Ltmp34:
0x1f7: {  	(pc) =	sbr.rel .LBB2_11-.Ltmp34, $2  }
0x1f8: {  	_ =	sdelay $0x2  }
0x1f9: {  	s18 =	simm.s32 $0xAB00  }
.LBB2_9:
.Ltmp35:
0x1fa: {  	(pc) =	sbr.rel .LBB2_11-.Ltmp35, $2  }
0x1fb: {  	_ =	sdelay $0x2  }
0x1fc: {  	s18 =	simm.s32 $0xAB00  }
.LBB2_47:
0x1fd: {  	_ =	sfence.sel $0x180000  }
0x1fe: {  	[bflag:$0x0] =	sbarrier.arrive $0xFFFF  }
0x1ff: {  	_ =	strace $0x90000047  }
0x200: {  	s0 =	stileid.u32;
	[bflag:$0x2] =	sbarrier.arrive $0xFFFF  }
0x201: {  	p0 =	sne.s32 s0, $0x0;
	s0 =	rddreg [dreg:$0x4]  }
0x202: {  	s0 =	sadd.s32 @!p0 $0x100000, s0  }
0x203: {  	[sflag:s0] =	ssyncadd.tile.s32 @!p0 $0x1;
	_ =	shalt  }
.Lfunc_end2:
_tile_overlayer_lowered:
.L_overlay_start_2:
0x204: {  	(tag) =	ssettag $0x2  }
0x205: {  	s0 =	rddreg [dreg:$0x0];
	s2 =	stileid.u32  }
0x206: {  	s1 =	rddreg [dreg:$0x1];
	p0 =	sne.s32 s2, $0x0  }
0x207: {  	s3 =	rddreg [dreg:$0x2];
	[bflag:$0x3] =	sbarrier.arrive $0xFFFF;
	s2 =	simm.s32 @!p0 $0x1C09  }
0x208: {  	[timem:s3], [sflag:s2] =	dma.local @!p0 [hbm:s0], s1  }
0x209: {  	s0 =	simm.s32 @!p0 $0x9  }
0x20a: {  	_ =	swait.ge @!p0 [sflag:s0], s1  }
0x20b: {  	s1 =	ssub.s32 @!p0 $0x0, s1;
	[sflag:s0] =	ssyncset.done @!p0 $0x0  }
0x20c: {  	[sflag:s0] =	ssyncadd.s32 @!p0 s1  }
0x20d: {  	[bflag:$0x3] =	sbarrier.arrive $0xFFFF  }
0x20e: {  	_ =	shalt  }

</sc_bundles>
